<compile_context>
chip_gen: v7x
topology: tpu7x:2x2x1
jax: 0.10.2.dev20260603
libtpu: 0.0.44.dev20260713+nightly
codegen_flags: <defaults>
</compile_context>

<pallas_src>
import jax
import jax.numpy as jnp
from jax import lax
from jax.experimental import pallas as pl
from jax.experimental.pallas import tpu as pltpu
from jax.experimental.pallas import tpu_sc as plsc

_H = 32
_N = 64


def _bias_body(tabs_hbm, out_hbm, tabs_v, out_v, sem_t):
    wid = lax.axis_index("s")

    cp_t = pltpu.async_copy(tabs_hbm, tabs_v, sem_t)

    lane = lax.broadcasted_iota(jnp.int32, (16,), 0)

    cp_t.wait()
    rt_tab = tabs_v.at[0]
    ct_tab = tabs_v.at[1]

    def build_plane(hh):
        colsel = jnp.full((16,), hh, jnp.int32) + 2 * wid

        cvec = [plsc.load_gather(ct_tab, [p + 7 - (lane & 7), colsel])
                for p in range(8)]

        @plsc.parallel_loop(0, 8, unroll=2)
        def block_body(a):
            rvec = [
                plsc.load_gather(
                    rt_tab, [a + 7 - ((c * 16 + lane) >> 3), colsel])
                for c in range(4)
            ]
            for p in range(8):
                for c in range(4):
                    out_v[hh, a * 8 + p, pl.ds(c * 16, 16)] = rvec[c] + cvec[p]

    build_plane(0)
    cp0 = pltpu.async_copy(out_v.at[0], out_hbm.at[0, 2 * wid], sem_t)
    build_plane(1)
    cp1 = pltpu.async_copy(out_v.at[1], out_hbm.at[0, 2 * wid + 1], sem_t)
    cp0.wait()
    cp1.wait()


@jax.jit
def _bias_planes(row_table, col_table):
    tabs = jnp.stack([row_table, col_table])
    mesh = plsc.VectorSubcoreMesh(
        core_axis_name="c", subcore_axis_name="s", num_cores=1)
    return pl.kernel(
        _bias_body,
        mesh=mesh,
        out_type=jax.ShapeDtypeStruct((1, _H, _N, _N), jnp.float32),
        scratch_types=[
            pltpu.VMEM((2, 15, _H), jnp.float32),
            pltpu.VMEM((2, _N, _N), jnp.float32),
            pltpu.SemaphoreType.DMA,
        ],
        compiler_params=pltpu.CompilerParams(
            needs_layout_passes=False,
            disable_bounds_checks=True,
            skip_device_barrier=True,
        ),
    )(tabs)


def kernel(q_len, k_len, row_bias_table, col_bias_table):
    return _bias_planes(row_bias_table, col_bias_table)

# --- scband reference (transcript-rebuilt; emitter-appended) ---
"""Pipeline reference for scband-chess-relative-position-bias-46943992546049 (READ-ONLY COPY).

The authoritative reference and input builder live on the scoring server;
editing this copy changes nothing except your own understanding.
"""

import jax, jax.numpy as jnp
import numpy as np

NUM_HEADS = 32

def setup_inputs(seed: int = 0) -> dict:
    key = jax.random.key(seed)
    k1, k2 = jax.random.split(key)
    row_bias_table = (jax.random.normal(k1, (15, NUM_HEADS), dtype=jnp.float32) * 0.02)
    col_bias_table = (jax.random.normal(k2, (15, NUM_HEADS), dtype=jnp.float32) * 0.02)
    return {
        "q_len": 64,
        "k_len": 64,
        "row_bias_table": row_bias_table,
        "col_bias_table": col_bias_table,
    }

def reference(q_len, k_len, row_bias_table, col_bias_table):
    coords = jnp.arange(64)
    x = coords // 8
    y = coords % 8
    x_diff = x[:, None] - x[None, :]
    y_diff = y[:, None] - y[None, :]
    x_indices = x_diff + 7
    y_indices = y_diff + 7
    # embedding lookups (gather)
    row_bias = jnp.take(row_bias_table, x_indices, axis=0)  # (64, 64, H)
    col_bias = jnp.take(col_bias_table, y_indices, axis=0)  # (64, 64, H)
    total_bias = row_bias + col_bias
    total_bias = jnp.transpose(total_bias, (2, 0, 1))  # (H, 64, 64)
    return jnp.expand_dims(total_bias, 0)  # (1, H, 64, 64)

if __name__ == "__main__":
    import jax
    _d = setup_inputs()
    print(jax.jit(kernel)(*tuple(_d.values())))

</pallas_src>

<mosaic_0001>
#map = affine_map<(d0, d1) -> (0, 0, 0)>
#map1 = affine_map<(d0, d1) -> (0, 0, 0, 0)>
module attributes {stable_mosaic.version = 14 : i64} {
  func.func @_bias_body(%arg0: i32, %arg1: i32, %arg2: memref<2x15x32xf32, #tpu.memory_space<hbm>>, %arg3: memref<1x32x64x64xf32, #tpu.memory_space<hbm>>, %arg4: memref<2x15x32xf32, #tpu.memory_space<vmem>>, %arg5: memref<2x64x64xf32, #tpu.memory_space<vmem>>, %arg6: memref<!tpu.dma_semaphore, #tpu.memory_space<semaphore_mem>>) attributes {dimension_semantics = [#tpu.dimension_semantics<core_parallel>, #tpu.dimension_semantics<subcore_parallel>], iteration_bounds = array<i64: 1, 16>, scalar_prefetch = 0 : i64, scratch_operands = 3 : i64, tpu.core_type = #tpu.core_type<sc_vector_subcore>, window_params = [{transform_indices = #map}, {transform_indices = #map1}]} {
    tpu.enqueue_dma source(%arg2 : memref<2x15x32xf32, #tpu.memory_space<hbm>>) target(%arg4 : memref<2x15x32xf32, #tpu.memory_space<vmem>>) target_semaphore(%arg6 : memref<!tpu.dma_semaphore, #tpu.memory_space<semaphore_mem>>)
    %iota3A = tpu.iota {dimensions = array<i32: 0>} : vector<16xi32>
    tpu.wait_dma2 semaphore(%arg6 : memref<!tpu.dma_semaphore, #tpu.memory_space<semaphore_mem>>) src(%arg2 : memref<2x15x32xf32, #tpu.memory_space<hbm>>) dst(%arg4 : memref<2x15x32xf32, #tpu.memory_space<vmem>>)
    %broadcast_in_dim3A = arith.constant 0 : i32
    %broadcast_in_dim3A_0 = vector.broadcast %broadcast_in_dim3A : i32 to vector<16xi32>
    %mul3A = arith.constant 2 : i32
    %mul3A_1 = arith.muli %mul3A, %arg1 : i32
    %add3A = vector.broadcast %mul3A_1 : i32 to vector<16xi32>
    %add3A_2 = arith.addi %broadcast_in_dim3A_0, %add3A : vector<16xi32>
    %and3A = arith.constant 7 : i32
    %and3A_3 = vector.broadcast %and3A : i32 to vector<16xi32>
    %and3A_4 = arith.andi %iota3A, %and3A_3 : vector<16xi32>
    %sub3A = arith.constant 7 : i32
    %sub3A_5 = vector.broadcast %sub3A : i32 to vector<16xi32>
    %sub3A_6 = arith.subi %sub3A_5, %and3A_4 : vector<16xi32>
    %gather3A = arith.constant 1 : i32
    %gather3A_7 = arith.constant 0 : i32
    %gather3A_8 = arith.constant 0 : i32
    %gather3A_9 = tpu.memref_slice %arg4[%gather3A, %gather3A_7, %gather3A_8] : memref<2x15x32xf32, #tpu.memory_space<vmem>> -> memref<1x15x32xf32, #tpu.memory_space<vmem>>
    %gather3A_10 = tpu.memref_squeeze %gather3A_9 : memref<1x15x32xf32, #tpu.memory_space<vmem>> -> memref<15x32xf32, #tpu.memory_space<vmem>>
    %gather3A_11 = tpu.vector_load_idx %gather3A_10[%sub3A_6, %add3A_2] : memref<15x32xf32, #tpu.memory_space<vmem>>[vector<16xi32>, vector<16xi32>], vector<16xf32>,
    %and3A_12 = arith.constant 7 : i32
    %and3A_13 = vector.broadcast %and3A_12 : i32 to vector<16xi32>
    %and3A_14 = arith.andi %iota3A, %and3A_13 : vector<16xi32>
    %sub3A_15 = arith.constant 8 : i32
    %sub3A_16 = vector.broadcast %sub3A_15 : i32 to vector<16xi32>
    %sub3A_17 = arith.subi %sub3A_16, %and3A_14 : vector<16xi32>
    %gather3A_18 = arith.constant 1 : i32
    %gather3A_19 = arith.constant 0 : i32
    %gather3A_20 = arith.constant 0 : i32
    %gather3A_21 = tpu.memref_slice %arg4[%gather3A_18, %gather3A_19, %gather3A_20] : memref<2x15x32xf32, #tpu.memory_space<vmem>> -> memref<1x15x32xf32, #tpu.memory_space<vmem>>
    %gather3A_22 = tpu.memref_squeeze %gather3A_21 : memref<1x15x32xf32, #tpu.memory_space<vmem>> -> memref<15x32xf32, #tpu.memory_space<vmem>>
    %gather3A_23 = tpu.vector_load_idx %gather3A_22[%sub3A_17, %add3A_2] : memref<15x32xf32, #tpu.memory_space<vmem>>[vector<16xi32>, vector<16xi32>], vector<16xf32>,
    %and3A_24 = arith.constant 7 : i32
    %and3A_25 = vector.broadcast %and3A_24 : i32 to vector<16xi32>
    %and3A_26 = arith.andi %iota3A, %and3A_25 : vector<16xi32>
    %sub3A_27 = arith.constant 9 : i32
    %sub3A_28 = vector.broadcast %sub3A_27 : i32 to vector<16xi32>
    %sub3A_29 = arith.subi %sub3A_28, %and3A_26 : vector<16xi32>
    %gather3A_30 = arith.constant 1 : i32
    %gather3A_31 = arith.constant 0 : i32
    %gather3A_32 = arith.constant 0 : i32
    %gather3A_33 = tpu.memref_slice %arg4[%gather3A_30, %gather3A_31, %gather3A_32] : memref<2x15x32xf32, #tpu.memory_space<vmem>> -> memref<1x15x32xf32, #tpu.memory_space<vmem>>
    %gather3A_34 = tpu.memref_squeeze %gather3A_33 : memref<1x15x32xf32, #tpu.memory_space<vmem>> -> memref<15x32xf32, #tpu.memory_space<vmem>>
    %gather3A_35 = tpu.vector_load_idx %gather3A_34[%sub3A_29, %add3A_2] : memref<15x32xf32, #tpu.memory_space<vmem>>[vector<16xi32>, vector<16xi32>], vector<16xf32>,
    %and3A_36 = arith.constant 7 : i32
    %and3A_37 = vector.broadcast %and3A_36 : i32 to vector<16xi32>
    %and3A_38 = arith.andi %iota3A, %and3A_37 : vector<16xi32>
    %sub3A_39 = arith.constant 10 : i32
    %sub3A_40 = vector.broadcast %sub3A_39 : i32 to vector<16xi32>
    %sub3A_41 = arith.subi %sub3A_40, %and3A_38 : vector<16xi32>
    %gather3A_42 = arith.constant 1 : i32
    %gather3A_43 = arith.constant 0 : i32
    %gather3A_44 = arith.constant 0 : i32
    %gather3A_45 = tpu.memref_slice %arg4[%gather3A_42, %gather3A_43, %gather3A_44] : memref<2x15x32xf32, #tpu.memory_space<vmem>> -> memref<1x15x32xf32, #tpu.memory_space<vmem>>
    %gather3A_46 = tpu.memref_squeeze %gather3A_45 : memref<1x15x32xf32, #tpu.memory_space<vmem>> -> memref<15x32xf32, #tpu.memory_space<vmem>>
    %gather3A_47 = tpu.vector_load_idx %gather3A_46[%sub3A_41, %add3A_2] : memref<15x32xf32, #tpu.memory_space<vmem>>[vector<16xi32>, vector<16xi32>], vector<16xf32>,
    %and3A_48 = arith.constant 7 : i32
    %and3A_49 = vector.broadcast %and3A_48 : i32 to vector<16xi32>
    %and3A_50 = arith.andi %iota3A, %and3A_49 : vector<16xi32>
    %sub3A_51 = arith.constant 11 : i32
    %sub3A_52 = vector.broadcast %sub3A_51 : i32 to vector<16xi32>
    %sub3A_53 = arith.subi %sub3A_52, %and3A_50 : vector<16xi32>
    %gather3A_54 = arith.constant 1 : i32
    %gather3A_55 = arith.constant 0 : i32
    %gather3A_56 = arith.constant 0 : i32
    %gather3A_57 = tpu.memref_slice %arg4[%gather3A_54, %gather3A_55, %gather3A_56] : memref<2x15x32xf32, #tpu.memory_space<vmem>> -> memref<1x15x32xf32, #tpu.memory_space<vmem>>
    %gather3A_58 = tpu.memref_squeeze %gather3A_57 : memref<1x15x32xf32, #tpu.memory_space<vmem>> -> memref<15x32xf32, #tpu.memory_space<vmem>>
    %gather3A_59 = tpu.vector_load_idx %gather3A_58[%sub3A_53, %add3A_2] : memref<15x32xf32, #tpu.memory_space<vmem>>[vector<16xi32>, vector<16xi32>], vector<16xf32>,
    %and3A_60 = arith.constant 7 : i32
    %and3A_61 = vector.broadcast %and3A_60 : i32 to vector<16xi32>
    %and3A_62 = arith.andi %iota3A, %and3A_61 : vector<16xi32>
    %sub3A_63 = arith.constant 12 : i32
    %sub3A_64 = vector.broadcast %sub3A_63 : i32 to vector<16xi32>
    %sub3A_65 = arith.subi %sub3A_64, %and3A_62 : vector<16xi32>
    %gather3A_66 = arith.constant 1 : i32
    %gather3A_67 = arith.constant 0 : i32
    %gather3A_68 = arith.constant 0 : i32
    %gather3A_69 = tpu.memref_slice %arg4[%gather3A_66, %gather3A_67, %gather3A_68] : memref<2x15x32xf32, #tpu.memory_space<vmem>> -> memref<1x15x32xf32, #tpu.memory_space<vmem>>
    %gather3A_70 = tpu.memref_squeeze %gather3A_69 : memref<1x15x32xf32, #tpu.memory_space<vmem>> -> memref<15x32xf32, #tpu.memory_space<vmem>>
    %gather3A_71 = tpu.vector_load_idx %gather3A_70[%sub3A_65, %add3A_2] : memref<15x32xf32, #tpu.memory_space<vmem>>[vector<16xi32>, vector<16xi32>], vector<16xf32>,
    %and3A_72 = arith.constant 7 : i32
    %and3A_73 = vector.broadcast %and3A_72 : i32 to vector<16xi32>
    %and3A_74 = arith.andi %iota3A, %and3A_73 : vector<16xi32>
    %sub3A_75 = arith.constant 13 : i32
    %sub3A_76 = vector.broadcast %sub3A_75 : i32 to vector<16xi32>
    %sub3A_77 = arith.subi %sub3A_76, %and3A_74 : vector<16xi32>
    %gather3A_78 = arith.constant 1 : i32
    %gather3A_79 = arith.constant 0 : i32
    %gather3A_80 = arith.constant 0 : i32
    %gather3A_81 = tpu.memref_slice %arg4[%gather3A_78, %gather3A_79, %gather3A_80] : memref<2x15x32xf32, #tpu.memory_space<vmem>> -> memref<1x15x32xf32, #tpu.memory_space<vmem>>
    %gather3A_82 = tpu.memref_squeeze %gather3A_81 : memref<1x15x32xf32, #tpu.memory_space<vmem>> -> memref<15x32xf32, #tpu.memory_space<vmem>>
    %gather3A_83 = tpu.vector_load_idx %gather3A_82[%sub3A_77, %add3A_2] : memref<15x32xf32, #tpu.memory_space<vmem>>[vector<16xi32>, vector<16xi32>], vector<16xf32>,
    %and3A_84 = arith.constant 7 : i32
    %and3A_85 = vector.broadcast %and3A_84 : i32 to vector<16xi32>
    %and3A_86 = arith.andi %iota3A, %and3A_85 : vector<16xi32>
    %sub3A_87 = arith.constant 14 : i32
    %sub3A_88 = vector.broadcast %sub3A_87 : i32 to vector<16xi32>
    %sub3A_89 = arith.subi %sub3A_88, %and3A_86 : vector<16xi32>
    %gather3A_90 = arith.constant 1 : i32
    %gather3A_91 = arith.constant 0 : i32
    %gather3A_92 = arith.constant 0 : i32
    %gather3A_93 = tpu.memref_slice %arg4[%gather3A_90, %gather3A_91, %gather3A_92] : memref<2x15x32xf32, #tpu.memory_space<vmem>> -> memref<1x15x32xf32, #tpu.memory_space<vmem>>
    %gather3A_94 = tpu.memref_squeeze %gather3A_93 : memref<1x15x32xf32, #tpu.memory_space<vmem>> -> memref<15x32xf32, #tpu.memory_space<vmem>>
    %gather3A_95 = tpu.vector_load_idx %gather3A_94[%sub3A_89, %add3A_2] : memref<15x32xf32, #tpu.memory_space<vmem>>[vector<16xi32>, vector<16xi32>], vector<16xf32>,
    %parallel_loop3A = arith.constant 0 : i32
    %parallel_loop3A_96 = arith.constant 8 : i32
    %parallel_loop3A_97 = arith.constant 1 : i32
    %parallel_loop3A_98 = arith.constant 0 : i32
    scf.for %parallel_loop3A_281 = %parallel_loop3A to %parallel_loop3A_96 step %parallel_loop3A_97  : i32 {
      %parallel_loop3A_282 = arith.constant 7 : i32
      %parallel_loop3A_283 = arith.addi %parallel_loop3A_281, %parallel_loop3A_282 : i32
      %parallel_loop3A_284 = arith.constant 0 : i32
      %parallel_loop3A_285 = vector.broadcast %parallel_loop3A_284 : i32 to vector<16xi32>
      %parallel_loop3A_286 = arith.addi %parallel_loop3A_285, %iota3A : vector<16xi32>
      %parallel_loop3A_287 = arith.constant 3 : i32
      %parallel_loop3A_288 = vector.broadcast %parallel_loop3A_287 : i32 to vector<16xi32>
      %parallel_loop3A_289 = arith.shrsi %parallel_loop3A_286, %parallel_loop3A_288 : vector<16xi32>
      %parallel_loop3A_290 = vector.broadcast %parallel_loop3A_283 : i32 to vector<16xi32>
      %parallel_loop3A_291 = arith.subi %parallel_loop3A_290, %parallel_loop3A_289 : vector<16xi32>
      %parallel_loop3A_292 = arith.constant 0 : i32
      %parallel_loop3A_293 = arith.constant 0 : i32
      %parallel_loop3A_294 = tpu.memref_slice %arg4[%parallel_loop3A_98, %parallel_loop3A_292, %parallel_loop3A_293] : memref<2x15x32xf32, #tpu.memory_space<vmem>> -> memref<1x15x32xf32, #tpu.memory_space<vmem>>
      %parallel_loop3A_295 = tpu.memref_squeeze %parallel_loop3A_294 : memref<1x15x32xf32, #tpu.memory_space<vmem>> -> memref<15x32xf32, #tpu.memory_space<vmem>>
      %parallel_loop3A_296 = tpu.vector_load_idx %parallel_loop3A_295[%parallel_loop3A_291, %add3A_2] : memref<15x32xf32, #tpu.memory_space<vmem>>[vector<16xi32>, vector<16xi32>], vector<16xf32>,
      %parallel_loop3A_297 = arith.constant 7 : i32
      %parallel_loop3A_298 = arith.addi %parallel_loop3A_281, %parallel_loop3A_297 : i32
      %parallel_loop3A_299 = arith.constant 16 : i32
      %parallel_loop3A_300 = vector.broadcast %parallel_loop3A_299 : i32 to vector<16xi32>
      %parallel_loop3A_301 = arith.addi %parallel_loop3A_300, %iota3A : vector<16xi32>
      %parallel_loop3A_302 = arith.constant 3 : i32
      %parallel_loop3A_303 = vector.broadcast %parallel_loop3A_302 : i32 to vector<16xi32>
      %parallel_loop3A_304 = arith.shrsi %parallel_loop3A_301, %parallel_loop3A_303 : vector<16xi32>
      %parallel_loop3A_305 = vector.broadcast %parallel_loop3A_298 : i32 to vector<16xi32>
      %parallel_loop3A_306 = arith.subi %parallel_loop3A_305, %parallel_loop3A_304 : vector<16xi32>
      %parallel_loop3A_307 = arith.constant 0 : i32
      %parallel_loop3A_308 = arith.constant 0 : i32
      %parallel_loop3A_309 = tpu.memref_slice %arg4[%parallel_loop3A_98, %parallel_loop3A_307, %parallel_loop3A_308] : memref<2x15x32xf32, #tpu.memory_space<vmem>> -> memref<1x15x32xf32, #tpu.memory_space<vmem>>
      %parallel_loop3A_310 = tpu.memref_squeeze %parallel_loop3A_309 : memref<1x15x32xf32, #tpu.memory_space<vmem>> -> memref<15x32xf32, #tpu.memory_space<vmem>>
      %parallel_loop3A_311 = tpu.vector_load_idx %parallel_loop3A_310[%parallel_loop3A_306, %add3A_2] : memref<15x32xf32, #tpu.memory_space<vmem>>[vector<16xi32>, vector<16xi32>], vector<16xf32>,
      %parallel_loop3A_312 = arith.constant 7 : i32
      %parallel_loop3A_313 = arith.addi %parallel_loop3A_281, %parallel_loop3A_312 : i32
      %parallel_loop3A_314 = arith.constant 32 : i32
      %parallel_loop3A_315 = vector.broadcast %parallel_loop3A_314 : i32 to vector<16xi32>
      %parallel_loop3A_316 = arith.addi %parallel_loop3A_315, %iota3A : vector<16xi32>
      %parallel_loop3A_317 = arith.constant 3 : i32
      %parallel_loop3A_318 = vector.broadcast %parallel_loop3A_317 : i32 to vector<16xi32>
      %parallel_loop3A_319 = arith.shrsi %parallel_loop3A_316, %parallel_loop3A_318 : vector<16xi32>
      %parallel_loop3A_320 = vector.broadcast %parallel_loop3A_313 : i32 to vector<16xi32>
      %parallel_loop3A_321 = arith.subi %parallel_loop3A_320, %parallel_loop3A_319 : vector<16xi32>
      %parallel_loop3A_322 = arith.constant 0 : i32
      %parallel_loop3A_323 = arith.constant 0 : i32
      %parallel_loop3A_324 = tpu.memref_slice %arg4[%parallel_loop3A_98, %parallel_loop3A_322, %parallel_loop3A_323] : memref<2x15x32xf32, #tpu.memory_space<vmem>> -> memref<1x15x32xf32, #tpu.memory_space<vmem>>
      %parallel_loop3A_325 = tpu.memref_squeeze %parallel_loop3A_324 : memref<1x15x32xf32, #tpu.memory_space<vmem>> -> memref<15x32xf32, #tpu.memory_space<vmem>>
      %parallel_loop3A_326 = tpu.vector_load_idx %parallel_loop3A_325[%parallel_loop3A_321, %add3A_2] : memref<15x32xf32, #tpu.memory_space<vmem>>[vector<16xi32>, vector<16xi32>], vector<16xf32>,
      %parallel_loop3A_327 = arith.constant 7 : i32
      %parallel_loop3A_328 = arith.addi %parallel_loop3A_281, %parallel_loop3A_327 : i32
      %parallel_loop3A_329 = arith.constant 48 : i32
      %parallel_loop3A_330 = vector.broadcast %parallel_loop3A_329 : i32 to vector<16xi32>
      %parallel_loop3A_331 = arith.addi %parallel_loop3A_330, %iota3A : vector<16xi32>
      %parallel_loop3A_332 = arith.constant 3 : i32
      %parallel_loop3A_333 = vector.broadcast %parallel_loop3A_332 : i32 to vector<16xi32>
      %parallel_loop3A_334 = arith.shrsi %parallel_loop3A_331, %parallel_loop3A_333 : vector<16xi32>
      %parallel_loop3A_335 = vector.broadcast %parallel_loop3A_328 : i32 to vector<16xi32>
      %parallel_loop3A_336 = arith.subi %parallel_loop3A_335, %parallel_loop3A_334 : vector<16xi32>
      %parallel_loop3A_337 = arith.constant 0 : i32
      %parallel_loop3A_338 = arith.constant 0 : i32
      %parallel_loop3A_339 = tpu.memref_slice %arg4[%parallel_loop3A_98, %parallel_loop3A_337, %parallel_loop3A_338] : memref<2x15x32xf32, #tpu.memory_space<vmem>> -> memref<1x15x32xf32, #tpu.memory_space<vmem>>
      %parallel_loop3A_340 = tpu.memref_squeeze %parallel_loop3A_339 : memref<1x15x32xf32, #tpu.memory_space<vmem>> -> memref<15x32xf32, #tpu.memory_space<vmem>>
      %parallel_loop3A_341 = tpu.vector_load_idx %parallel_loop3A_340[%parallel_loop3A_336, %add3A_2] : memref<15x32xf32, #tpu.memory_space<vmem>>[vector<16xi32>, vector<16xi32>], vector<16xf32>,
      %parallel_loop3A_342 = arith.addf %parallel_loop3A_296, %gather3A_11 : vector<16xf32>
      %parallel_loop3A_343 = arith.constant 8 : i32
      %parallel_loop3A_344 = arith.muli %parallel_loop3A_281, %parallel_loop3A_343 : i32
      %parallel_loop3A_345 = arith.constant 0 : i32
      %parallel_loop3A_346 = arith.addi %parallel_loop3A_344, %parallel_loop3A_345 : i32
      %parallel_loop3A_347 = arith.constant 0 : i32
      %parallel_loop3A_348 = arith.index_cast %parallel_loop3A_347 : i32 to index
      %parallel_loop3A_349 = arith.index_cast %parallel_loop3A_346 : i32 to index
      %parallel_loop3A_350 = arith.constant 0 : index
      %parallel_loop3A_351 = tpu.vector_load %arg5[%parallel_loop3A_348, %parallel_loop3A_349, %parallel_loop3A_350] {strides = array<i32>} : memref<2x64x64xf32, #tpu.memory_space<vmem>>, vector<16xf32>,
      tpu.vector_store %arg5[%parallel_loop3A_348, %parallel_loop3A_349, %parallel_loop3A_350], %parallel_loop3A_342 {strides = array<i32>} : memref<2x64x64xf32, #tpu.memory_space<vmem>>, vector<16xf32>,
      %parallel_loop3A_352 = arith.addf %parallel_loop3A_311, %gather3A_11 : vector<16xf32>
      %parallel_loop3A_353 = arith.constant 8 : i32
      %parallel_loop3A_354 = arith.muli %parallel_loop3A_281, %parallel_loop3A_353 : i32
      %parallel_loop3A_355 = arith.constant 0 : i32
      %parallel_loop3A_356 = arith.addi %parallel_loop3A_354, %parallel_loop3A_355 : i32
      %parallel_loop3A_357 = arith.constant 0 : i32
      %parallel_loop3A_358 = arith.index_cast %parallel_loop3A_357 : i32 to index
      %parallel_loop3A_359 = arith.index_cast %parallel_loop3A_356 : i32 to index
      %parallel_loop3A_360 = arith.constant 16 : index
      %parallel_loop3A_361 = tpu.vector_load %arg5[%parallel_loop3A_358, %parallel_loop3A_359, %parallel_loop3A_360] {strides = array<i32>} : memref<2x64x64xf32, #tpu.memory_space<vmem>>, vector<16xf32>,
      tpu.vector_store %arg5[%parallel_loop3A_358, %parallel_loop3A_359, %parallel_loop3A_360], %parallel_loop3A_352 {strides = array<i32>} : memref<2x64x64xf32, #tpu.memory_space<vmem>>, vector<16xf32>,
      %parallel_loop3A_362 = arith.addf %parallel_loop3A_326, %gather3A_11 : vector<16xf32>
      %parallel_loop3A_363 = arith.constant 8 : i32
      %parallel_loop3A_364 = arith.muli %parallel_loop3A_281, %parallel_loop3A_363 : i32
      %parallel_loop3A_365 = arith.constant 0 : i32
      %parallel_loop3A_366 = arith.addi %parallel_loop3A_364, %parallel_loop3A_365 : i32
      %parallel_loop3A_367 = arith.constant 0 : i32
      %parallel_loop3A_368 = arith.index_cast %parallel_loop3A_367 : i32 to index
      %parallel_loop3A_369 = arith.index_cast %parallel_loop3A_366 : i32 to index
      %parallel_loop3A_370 = arith.constant 32 : index
      %parallel_loop3A_371 = tpu.vector_load %arg5[%parallel_loop3A_368, %parallel_loop3A_369, %parallel_loop3A_370] {strides = array<i32>} : memref<2x64x64xf32, #tpu.memory_space<vmem>>, vector<16xf32>,
      tpu.vector_store %arg5[%parallel_loop3A_368, %parallel_loop3A_369, %parallel_loop3A_370], %parallel_loop3A_362 {strides = array<i32>} : memref<2x64x64xf32, #tpu.memory_space<vmem>>, vector<16xf32>,
      %parallel_loop3A_372 = arith.addf %parallel_loop3A_341, %gather3A_11 : vector<16xf32>
      %parallel_loop3A_373 = arith.constant 8 : i32
      %parallel_loop3A_374 = arith.muli %parallel_loop3A_281, %parallel_loop3A_373 : i32
      %parallel_loop3A_375 = arith.constant 0 : i32
      %parallel_loop3A_376 = arith.addi %parallel_loop3A_374, %parallel_loop3A_375 : i32
      %parallel_loop3A_377 = arith.constant 0 : i32
      %parallel_loop3A_378 = arith.index_cast %parallel_loop3A_377 : i32 to index
      %parallel_loop3A_379 = arith.index_cast %parallel_loop3A_376 : i32 to index
      %parallel_loop3A_380 = arith.constant 48 : index
      %parallel_loop3A_381 = tpu.vector_load %arg5[%parallel_loop3A_378, %parallel_loop3A_379, %parallel_loop3A_380] {strides = array<i32>} : memref<2x64x64xf32, #tpu.memory_space<vmem>>, vector<16xf32>,
      tpu.vector_store %arg5[%parallel_loop3A_378, %parallel_loop3A_379, %parallel_loop3A_380], %parallel_loop3A_372 {strides = array<i32>} : memref<2x64x64xf32, #tpu.memory_space<vmem>>, vector<16xf32>,
      %parallel_loop3A_382 = arith.addf %parallel_loop3A_296, %gather3A_23 : vector<16xf32>
      %parallel_loop3A_383 = arith.constant 8 : i32
      %parallel_loop3A_384 = arith.muli %parallel_loop3A_281, %parallel_loop3A_383 : i32
      %parallel_loop3A_385 = arith.constant 1 : i32
      %parallel_loop3A_386 = arith.addi %parallel_loop3A_384, %parallel_loop3A_385 : i32
      %parallel_loop3A_387 = arith.constant 0 : i32
      %parallel_loop3A_388 = arith.index_cast %parallel_loop3A_387 : i32 to index
      %parallel_loop3A_389 = arith.index_cast %parallel_loop3A_386 : i32 to index
      %parallel_loop3A_390 = arith.constant 0 : index
      %parallel_loop3A_391 = tpu.vector_load %arg5[%parallel_loop3A_388, %parallel_loop3A_389, %parallel_loop3A_390] {strides = array<i32>} : memref<2x64x64xf32, #tpu.memory_space<vmem>>, vector<16xf32>,
      tpu.vector_store %arg5[%parallel_loop3A_388, %parallel_loop3A_389, %parallel_loop3A_390], %parallel_loop3A_382 {strides = array<i32>} : memref<2x64x64xf32, #tpu.memory_space<vmem>>, vector<16xf32>,
      %parallel_loop3A_392 = arith.addf %parallel_loop3A_311, %gather3A_23 : vector<16xf32>
      %parallel_loop3A_393 = arith.constant 8 : i32
      %parallel_loop3A_394 = arith.muli %parallel_loop3A_281, %parallel_loop3A_393 : i32
      %parallel_loop3A_395 = arith.constant 1 : i32
      %parallel_loop3A_396 = arith.addi %parallel_loop3A_394, %parallel_loop3A_395 : i32
      %parallel_loop3A_397 = arith.constant 0 : i32
      %parallel_loop3A_398 = arith.index_cast %parallel_loop3A_397 : i32 to index
      %parallel_loop3A_399 = arith.index_cast %parallel_loop3A_396 : i32 to index
      %parallel_loop3A_400 = arith.constant 16 : index
      %parallel_loop3A_401 = tpu.vector_load %arg5[%parallel_loop3A_398, %parallel_loop3A_399, %parallel_loop3A_400] {strides = array<i32>} : memref<2x64x64xf32, #tpu.memory_space<vmem>>, vector<16xf32>,
      tpu.vector_store %arg5[%parallel_loop3A_398, %parallel_loop3A_399, %parallel_loop3A_400], %parallel_loop3A_392 {strides = array<i32>} : memref<2x64x64xf32, #tpu.memory_space<vmem>>, vector<16xf32>,
      %parallel_loop3A_402 = arith.addf %parallel_loop3A_326, %gather3A_23 : vector<16xf32>
      %parallel_loop3A_403 = arith.constant 8 : i32
      %parallel_loop3A_404 = arith.muli %parallel_loop3A_281, %parallel_loop3A_403 : i32
      %parallel_loop3A_405 = arith.constant 1 : i32
      %parallel_loop3A_406 = arith.addi %parallel_loop3A_404, %parallel_loop3A_405 : i32
      %parallel_loop3A_407 = arith.constant 0 : i32
      %parallel_loop3A_408 = arith.index_cast %parallel_loop3A_407 : i32 to index
      %parallel_loop3A_409 = arith.index_cast %parallel_loop3A_406 : i32 to index
      %parallel_loop3A_410 = arith.constant 32 : index
      %parallel_loop3A_411 = tpu.vector_load %arg5[%parallel_loop3A_408, %parallel_loop3A_409, %parallel_loop3A_410] {strides = array<i32>} : memref<2x64x64xf32, #tpu.memory_space<vmem>>, vector<16xf32>,
      tpu.vector_store %arg5[%parallel_loop3A_408, %parallel_loop3A_409, %parallel_loop3A_410], %parallel_loop3A_402 {strides = array<i32>} : memref<2x64x64xf32, #tpu.memory_space<vmem>>, vector<16xf32>,
      %parallel_loop3A_412 = arith.addf %parallel_loop3A_341, %gather3A_23 : vector<16xf32>
      %parallel_loop3A_413 = arith.constant 8 : i32
      %parallel_loop3A_414 = arith.muli %parallel_loop3A_281, %parallel_loop3A_413 : i32
      %parallel_loop3A_415 = arith.constant 1 : i32
      %parallel_loop3A_416 = arith.addi %parallel_loop3A_414, %parallel_loop3A_415 : i32
      %parallel_loop3A_417 = arith.constant 0 : i32
      %parallel_loop3A_418 = arith.index_cast %parallel_loop3A_417 : i32 to index
      %parallel_loop3A_419 = arith.index_cast %parallel_loop3A_416 : i32 to index
      %parallel_loop3A_420 = arith.constant 48 : index
      %parallel_loop3A_421 = tpu.vector_load %arg5[%parallel_loop3A_418, %parallel_loop3A_419, %parallel_loop3A_420] {strides = array<i32>} : memref<2x64x64xf32, #tpu.memory_space<vmem>>, vector<16xf32>,
      tpu.vector_store %arg5[%parallel_loop3A_418, %parallel_loop3A_419, %parallel_loop3A_420], %parallel_loop3A_412 {strides = array<i32>} : memref<2x64x64xf32, #tpu.memory_space<vmem>>, vector<16xf32>,
      %parallel_loop3A_422 = arith.addf %parallel_loop3A_296, %gather3A_35 : vector<16xf32>
      %parallel_loop3A_423 = arith.constant 8 : i32
      %parallel_loop3A_424 = arith.muli %parallel_loop3A_281, %parallel_loop3A_423 : i32
      %parallel_loop3A_425 = arith.constant 2 : i32
      %parallel_loop3A_426 = arith.addi %parallel_loop3A_424, %parallel_loop3A_425 : i32
      %parallel_loop3A_427 = arith.constant 0 : i32
      %parallel_loop3A_428 = arith.index_cast %parallel_loop3A_427 : i32 to index
      %parallel_loop3A_429 = arith.index_cast %parallel_loop3A_426 : i32 to index
      %parallel_loop3A_430 = arith.constant 0 : index
      %parallel_loop3A_431 = tpu.vector_load %arg5[%parallel_loop3A_428, %parallel_loop3A_429, %parallel_loop3A_430] {strides = array<i32>} : memref<2x64x64xf32, #tpu.memory_space<vmem>>, vector<16xf32>,
      tpu.vector_store %arg5[%parallel_loop3A_428, %parallel_loop3A_429, %parallel_loop3A_430], %parallel_loop3A_422 {strides = array<i32>} : memref<2x64x64xf32, #tpu.memory_space<vmem>>, vector<16xf32>,
      %parallel_loop3A_432 = arith.addf %parallel_loop3A_311, %gather3A_35 : vector<16xf32>
      %parallel_loop3A_433 = arith.constant 8 : i32
      %parallel_loop3A_434 = arith.muli %parallel_loop3A_281, %parallel_loop3A_433 : i32
      %parallel_loop3A_435 = arith.constant 2 : i32
      %parallel_loop3A_436 = arith.addi %parallel_loop3A_434, %parallel_loop3A_435 : i32
      %parallel_loop3A_437 = arith.constant 0 : i32
      %parallel_loop3A_438 = arith.index_cast %parallel_loop3A_437 : i32 to index
      %parallel_loop3A_439 = arith.index_cast %parallel_loop3A_436 : i32 to index
      %parallel_loop3A_440 = arith.constant 16 : index
      %parallel_loop3A_441 = tpu.vector_load %arg5[%parallel_loop3A_438, %parallel_loop3A_439, %parallel_loop3A_440] {strides = array<i32>} : memref<2x64x64xf32, #tpu.memory_space<vmem>>, vector<16xf32>,
      tpu.vector_store %arg5[%parallel_loop3A_438, %parallel_loop3A_439, %parallel_loop3A_440], %parallel_loop3A_432 {strides = array<i32>} : memref<2x64x64xf32, #tpu.memory_space<vmem>>, vector<16xf32>,
      %parallel_loop3A_442 = arith.addf %parallel_loop3A_326, %gather3A_35 : vector<16xf32>
      %parallel_loop3A_443 = arith.constant 8 : i32
      %parallel_loop3A_444 = arith.muli %parallel_loop3A_281, %parallel_loop3A_443 : i32
      %parallel_loop3A_445 = arith.constant 2 : i32
      %parallel_loop3A_446 = arith.addi %parallel_loop3A_444, %parallel_loop3A_445 : i32
      %parallel_loop3A_447 = arith.constant 0 : i32
      %parallel_loop3A_448 = arith.index_cast %parallel_loop3A_447 : i32 to index
      %parallel_loop3A_449 = arith.index_cast %parallel_loop3A_446 : i32 to index
      %parallel_loop3A_450 = arith.constant 32 : index
      %parallel_loop3A_451 = tpu.vector_load %arg5[%parallel_loop3A_448, %parallel_loop3A_449, %parallel_loop3A_450] {strides = array<i32>} : memref<2x64x64xf32, #tpu.memory_space<vmem>>, vector<16xf32>,
      tpu.vector_store %arg5[%parallel_loop3A_448, %parallel_loop3A_449, %parallel_loop3A_450], %parallel_loop3A_442 {strides = array<i32>} : memref<2x64x64xf32, #tpu.memory_space<vmem>>, vector<16xf32>,
      %parallel_loop3A_452 = arith.addf %parallel_loop3A_341, %gather3A_35 : vector<16xf32>
      %parallel_loop3A_453 = arith.constant 8 : i32
      %parallel_loop3A_454 = arith.muli %parallel_loop3A_281, %parallel_loop3A_453 : i32
      %parallel_loop3A_455 = arith.constant 2 : i32
      %parallel_loop3A_456 = arith.addi %parallel_loop3A_454, %parallel_loop3A_455 : i32
      %parallel_loop3A_457 = arith.constant 0 : i32
      %parallel_loop3A_458 = arith.index_cast %parallel_loop3A_457 : i32 to index
      %parallel_loop3A_459 = arith.index_cast %parallel_loop3A_456 : i32 to index
      %parallel_loop3A_460 = arith.constant 48 : index
      %parallel_loop3A_461 = tpu.vector_load %arg5[%parallel_loop3A_458, %parallel_loop3A_459, %parallel_loop3A_460] {strides = array<i32>} : memref<2x64x64xf32, #tpu.memory_space<vmem>>, vector<16xf32>,
      tpu.vector_store %arg5[%parallel_loop3A_458, %parallel_loop3A_459, %parallel_loop3A_460], %parallel_loop3A_452 {strides = array<i32>} : memref<2x64x64xf32, #tpu.memory_space<vmem>>, vector<16xf32>,
      %parallel_loop3A_462 = arith.addf %parallel_loop3A_296, %gather3A_47 : vector<16xf32>
      %parallel_loop3A_463 = arith.constant 8 : i32
      %parallel_loop3A_464 = arith.muli %parallel_loop3A_281, %parallel_loop3A_463 : i32
      %parallel_loop3A_465 = arith.constant 3 : i32
      %parallel_loop3A_466 = arith.addi %parallel_loop3A_464, %parallel_loop3A_465 : i32
      %parallel_loop3A_467 = arith.constant 0 : i32
      %parallel_loop3A_468 = arith.index_cast %parallel_loop3A_467 : i32 to index
      %parallel_loop3A_469 = arith.index_cast %parallel_loop3A_466 : i32 to index
      %parallel_loop3A_470 = arith.constant 0 : index
      %parallel_loop3A_471 = tpu.vector_load %arg5[%parallel_loop3A_468, %parallel_loop3A_469, %parallel_loop3A_470] {strides = array<i32>} : memref<2x64x64xf32, #tpu.memory_space<vmem>>, vector<16xf32>,
      tpu.vector_store %arg5[%parallel_loop3A_468, %parallel_loop3A_469, %parallel_loop3A_470], %parallel_loop3A_462 {strides = array<i32>} : memref<2x64x64xf32, #tpu.memory_space<vmem>>, vector<16xf32>,
      %parallel_loop3A_472 = arith.addf %parallel_loop3A_311, %gather3A_47 : vector<16xf32>
      %parallel_loop3A_473 = arith.constant 8 : i32
      %parallel_loop3A_474 = arith.muli %parallel_loop3A_281, %parallel_loop3A_473 : i32
      %parallel_loop3A_475 = arith.constant 3 : i32
      %parallel_loop3A_476 = arith.addi %parallel_loop3A_474, %parallel_loop3A_475 : i32
      %parallel_loop3A_477 = arith.constant 0 : i32
      %parallel_loop3A_478 = arith.index_cast %parallel_loop3A_477 : i32 to index
      %parallel_loop3A_479 = arith.index_cast %parallel_loop3A_476 : i32 to index
      %parallel_loop3A_480 = arith.constant 16 : index
      %parallel_loop3A_481 = tpu.vector_load %arg5[%parallel_loop3A_478, %parallel_loop3A_479, %parallel_loop3A_480] {strides = array<i32>} : memref<2x64x64xf32, #tpu.memory_space<vmem>>, vector<16xf32>,
      tpu.vector_store %arg5[%parallel_loop3A_478, %parallel_loop3A_479, %parallel_loop3A_480], %parallel_loop3A_472 {strides = array<i32>} : memref<2x64x64xf32, #tpu.memory_space<vmem>>, vector<16xf32>,
      %parallel_loop3A_482 = arith.addf %parallel_loop3A_326, %gather3A_47 : vector<16xf32>
      %parallel_loop3A_483 = arith.constant 8 : i32
      %parallel_loop3A_484 = arith.muli %parallel_loop3A_281, %parallel_loop3A_483 : i32
      %parallel_loop3A_485 = arith.constant 3 : i32
      %parallel_loop3A_486 = arith.addi %parallel_loop3A_484, %parallel_loop3A_485 : i32
      %parallel_loop3A_487 = arith.constant 0 : i32
      %parallel_loop3A_488 = arith.index_cast %parallel_loop3A_487 : i32 to index
      %parallel_loop3A_489 = arith.index_cast %parallel_loop3A_486 : i32 to index
      %parallel_loop3A_490 = arith.constant 32 : index
      %parallel_loop3A_491 = tpu.vector_load %arg5[%parallel_loop3A_488, %parallel_loop3A_489, %parallel_loop3A_490] {strides = array<i32>} : memref<2x64x64xf32, #tpu.memory_space<vmem>>, vector<16xf32>,
      tpu.vector_store %arg5[%parallel_loop3A_488, %parallel_loop3A_489, %parallel_loop3A_490], %parallel_loop3A_482 {strides = array<i32>} : memref<2x64x64xf32, #tpu.memory_space<vmem>>, vector<16xf32>,
      %parallel_loop3A_492 = arith.addf %parallel_loop3A_341, %gather3A_47 : vector<16xf32>
      %parallel_loop3A_493 = arith.constant 8 : i32
      %parallel_loop3A_494 = arith.muli %parallel_loop3A_281, %parallel_loop3A_493 : i32
      %parallel_loop3A_495 = arith.constant 3 : i32
      %parallel_loop3A_496 = arith.addi %parallel_loop3A_494, %parallel_loop3A_495 : i32
      %parallel_loop3A_497 = arith.constant 0 : i32
      %parallel_loop3A_498 = arith.index_cast %parallel_loop3A_497 : i32 to index
      %parallel_loop3A_499 = arith.index_cast %parallel_loop3A_496 : i32 to index
      %parallel_loop3A_500 = arith.constant 48 : index
      %parallel_loop3A_501 = tpu.vector_load %arg5[%parallel_loop3A_498, %parallel_loop3A_499, %parallel_loop3A_500] {strides = array<i32>} : memref<2x64x64xf32, #tpu.memory_space<vmem>>, vector<16xf32>,
      tpu.vector_store %arg5[%parallel_loop3A_498, %parallel_loop3A_499, %parallel_loop3A_500], %parallel_loop3A_492 {strides = array<i32>} : memref<2x64x64xf32, #tpu.memory_space<vmem>>, vector<16xf32>,
      %parallel_loop3A_502 = arith.addf %parallel_loop3A_296, %gather3A_59 : vector<16xf32>
      %parallel_loop3A_503 = arith.constant 8 : i32
      %parallel_loop3A_504 = arith.muli %parallel_loop3A_281, %parallel_loop3A_503 : i32
      %parallel_loop3A_505 = arith.constant 4 : i32
      %parallel_loop3A_506 = arith.addi %parallel_loop3A_504, %parallel_loop3A_505 : i32
      %parallel_loop3A_507 = arith.constant 0 : i32
      %parallel_loop3A_508 = arith.index_cast %parallel_loop3A_507 : i32 to index
      %parallel_loop3A_509 = arith.index_cast %parallel_loop3A_506 : i32 to index
      %parallel_loop3A_510 = arith.constant 0 : index
      %parallel_loop3A_511 = tpu.vector_load %arg5[%parallel_loop3A_508, %parallel_loop3A_509, %parallel_loop3A_510] {strides = array<i32>} : memref<2x64x64xf32, #tpu.memory_space<vmem>>, vector<16xf32>,
      tpu.vector_store %arg5[%parallel_loop3A_508, %parallel_loop3A_509, %parallel_loop3A_510], %parallel_loop3A_502 {strides = array<i32>} : memref<2x64x64xf32, #tpu.memory_space<vmem>>, vector<16xf32>,
      %parallel_loop3A_512 = arith.addf %parallel_loop3A_311, %gather3A_59 : vector<16xf32>
      %parallel_loop3A_513 = arith.constant 8 : i32
      %parallel_loop3A_514 = arith.muli %parallel_loop3A_281, %parallel_loop3A_513 : i32
      %parallel_loop3A_515 = arith.constant 4 : i32
      %parallel_loop3A_516 = arith.addi %parallel_loop3A_514, %parallel_loop3A_515 : i32
      %parallel_loop3A_517 = arith.constant 0 : i32
      %parallel_loop3A_518 = arith.index_cast %parallel_loop3A_517 : i32 to index
      %parallel_loop3A_519 = arith.index_cast %parallel_loop3A_516 : i32 to index
      %parallel_loop3A_520 = arith.constant 16 : index
      %parallel_loop3A_521 = tpu.vector_load %arg5[%parallel_loop3A_518, %parallel_loop3A_519, %parallel_loop3A_520] {strides = array<i32>} : memref<2x64x64xf32, #tpu.memory_space<vmem>>, vector<16xf32>,
      tpu.vector_store %arg5[%parallel_loop3A_518, %parallel_loop3A_519, %parallel_loop3A_520], %parallel_loop3A_512 {strides = array<i32>} : memref<2x64x64xf32, #tpu.memory_space<vmem>>, vector<16xf32>,
      %parallel_loop3A_522 = arith.addf %parallel_loop3A_326, %gather3A_59 : vector<16xf32>
      %parallel_loop3A_523 = arith.constant 8 : i32
      %parallel_loop3A_524 = arith.muli %parallel_loop3A_281, %parallel_loop3A_523 : i32
      %parallel_loop3A_525 = arith.constant 4 : i32
      %parallel_loop3A_526 = arith.addi %parallel_loop3A_524, %parallel_loop3A_525 : i32
      %parallel_loop3A_527 = arith.constant 0 : i32
      %parallel_loop3A_528 = arith.index_cast %parallel_loop3A_527 : i32 to index
      %parallel_loop3A_529 = arith.index_cast %parallel_loop3A_526 : i32 to index
      %parallel_loop3A_530 = arith.constant 32 : index
      %parallel_loop3A_531 = tpu.vector_load %arg5[%parallel_loop3A_528, %parallel_loop3A_529, %parallel_loop3A_530] {strides = array<i32>} : memref<2x64x64xf32, #tpu.memory_space<vmem>>, vector<16xf32>,
      tpu.vector_store %arg5[%parallel_loop3A_528, %parallel_loop3A_529, %parallel_loop3A_530], %parallel_loop3A_522 {strides = array<i32>} : memref<2x64x64xf32, #tpu.memory_space<vmem>>, vector<16xf32>,
      %parallel_loop3A_532 = arith.addf %parallel_loop3A_341, %gather3A_59 : vector<16xf32>
      %parallel_loop3A_533 = arith.constant 8 : i32
      %parallel_loop3A_534 = arith.muli %parallel_loop3A_281, %parallel_loop3A_533 : i32
      %parallel_loop3A_535 = arith.constant 4 : i32
      %parallel_loop3A_536 = arith.addi %parallel_loop3A_534, %parallel_loop3A_535 : i32
      %parallel_loop3A_537 = arith.constant 0 : i32
      %parallel_loop3A_538 = arith.index_cast %parallel_loop3A_537 : i32 to index
      %parallel_loop3A_539 = arith.index_cast %parallel_loop3A_536 : i32 to index
      %parallel_loop3A_540 = arith.constant 48 : index
      %parallel_loop3A_541 = tpu.vector_load %arg5[%parallel_loop3A_538, %parallel_loop3A_539, %parallel_loop3A_540] {strides = array<i32>} : memref<2x64x64xf32, #tpu.memory_space<vmem>>, vector<16xf32>,
      tpu.vector_store %arg5[%parallel_loop3A_538, %parallel_loop3A_539, %parallel_loop3A_540], %parallel_loop3A_532 {strides = array<i32>} : memref<2x64x64xf32, #tpu.memory_space<vmem>>, vector<16xf32>,
      %parallel_loop3A_542 = arith.addf %parallel_loop3A_296, %gather3A_71 : vector<16xf32>
      %parallel_loop3A_543 = arith.constant 8 : i32
      %parallel_loop3A_544 = arith.muli %parallel_loop3A_281, %parallel_loop3A_543 : i32
      %parallel_loop3A_545 = arith.constant 5 : i32
      %parallel_loop3A_546 = arith.addi %parallel_loop3A_544, %parallel_loop3A_545 : i32
      %parallel_loop3A_547 = arith.constant 0 : i32
      %parallel_loop3A_548 = arith.index_cast %parallel_loop3A_547 : i32 to index
      %parallel_loop3A_549 = arith.index_cast %parallel_loop3A_546 : i32 to index
      %parallel_loop3A_550 = arith.constant 0 : index
      %parallel_loop3A_551 = tpu.vector_load %arg5[%parallel_loop3A_548, %parallel_loop3A_549, %parallel_loop3A_550] {strides = array<i32>} : memref<2x64x64xf32, #tpu.memory_space<vmem>>, vector<16xf32>,
      tpu.vector_store %arg5[%parallel_loop3A_548, %parallel_loop3A_549, %parallel_loop3A_550], %parallel_loop3A_542 {strides = array<i32>} : memref<2x64x64xf32, #tpu.memory_space<vmem>>, vector<16xf32>,
      %parallel_loop3A_552 = arith.addf %parallel_loop3A_311, %gather3A_71 : vector<16xf32>
      %parallel_loop3A_553 = arith.constant 8 : i32
      %parallel_loop3A_554 = arith.muli %parallel_loop3A_281, %parallel_loop3A_553 : i32
      %parallel_loop3A_555 = arith.constant 5 : i32
      %parallel_loop3A_556 = arith.addi %parallel_loop3A_554, %parallel_loop3A_555 : i32
      %parallel_loop3A_557 = arith.constant 0 : i32
      %parallel_loop3A_558 = arith.index_cast %parallel_loop3A_557 : i32 to index
      %parallel_loop3A_559 = arith.index_cast %parallel_loop3A_556 : i32 to index
      %parallel_loop3A_560 = arith.constant 16 : index
      %parallel_loop3A_561 = tpu.vector_load %arg5[%parallel_loop3A_558, %parallel_loop3A_559, %parallel_loop3A_560] {strides = array<i32>} : memref<2x64x64xf32, #tpu.memory_space<vmem>>, vector<16xf32>,
      tpu.vector_store %arg5[%parallel_loop3A_558, %parallel_loop3A_559, %parallel_loop3A_560], %parallel_loop3A_552 {strides = array<i32>} : memref<2x64x64xf32, #tpu.memory_space<vmem>>, vector<16xf32>,
      %parallel_loop3A_562 = arith.addf %parallel_loop3A_326, %gather3A_71 : vector<16xf32>
      %parallel_loop3A_563 = arith.constant 8 : i32
      %parallel_loop3A_564 = arith.muli %parallel_loop3A_281, %parallel_loop3A_563 : i32
      %parallel_loop3A_565 = arith.constant 5 : i32
      %parallel_loop3A_566 = arith.addi %parallel_loop3A_564, %parallel_loop3A_565 : i32
      %parallel_loop3A_567 = arith.constant 0 : i32
      %parallel_loop3A_568 = arith.index_cast %parallel_loop3A_567 : i32 to index
      %parallel_loop3A_569 = arith.index_cast %parallel_loop3A_566 : i32 to index
      %parallel_loop3A_570 = arith.constant 32 : index
      %parallel_loop3A_571 = tpu.vector_load %arg5[%parallel_loop3A_568, %parallel_loop3A_569, %parallel_loop3A_570] {strides = array<i32>} : memref<2x64x64xf32, #tpu.memory_space<vmem>>, vector<16xf32>,
      tpu.vector_store %arg5[%parallel_loop3A_568, %parallel_loop3A_569, %parallel_loop3A_570], %parallel_loop3A_562 {strides = array<i32>} : memref<2x64x64xf32, #tpu.memory_space<vmem>>, vector<16xf32>,
      %parallel_loop3A_572 = arith.addf %parallel_loop3A_341, %gather3A_71 : vector<16xf32>
      %parallel_loop3A_573 = arith.constant 8 : i32
      %parallel_loop3A_574 = arith.muli %parallel_loop3A_281, %parallel_loop3A_573 : i32
      %parallel_loop3A_575 = arith.constant 5 : i32
      %parallel_loop3A_576 = arith.addi %parallel_loop3A_574, %parallel_loop3A_575 : i32
      %parallel_loop3A_577 = arith.constant 0 : i32
      %parallel_loop3A_578 = arith.index_cast %parallel_loop3A_577 : i32 to index
      %parallel_loop3A_579 = arith.index_cast %parallel_loop3A_576 : i32 to index
      %parallel_loop3A_580 = arith.constant 48 : index
      %parallel_loop3A_581 = tpu.vector_load %arg5[%parallel_loop3A_578, %parallel_loop3A_579, %parallel_loop3A_580] {strides = array<i32>} : memref<2x64x64xf32, #tpu.memory_space<vmem>>, vector<16xf32>,
      tpu.vector_store %arg5[%parallel_loop3A_578, %parallel_loop3A_579, %parallel_loop3A_580], %parallel_loop3A_572 {strides = array<i32>} : memref<2x64x64xf32, #tpu.memory_space<vmem>>, vector<16xf32>,
      %parallel_loop3A_582 = arith.addf %parallel_loop3A_296, %gather3A_83 : vector<16xf32>
      %parallel_loop3A_583 = arith.constant 8 : i32
      %parallel_loop3A_584 = arith.muli %parallel_loop3A_281, %parallel_loop3A_583 : i32
      %parallel_loop3A_585 = arith.constant 6 : i32
      %parallel_loop3A_586 = arith.addi %parallel_loop3A_584, %parallel_loop3A_585 : i32
      %parallel_loop3A_587 = arith.constant 0 : i32
      %parallel_loop3A_588 = arith.index_cast %parallel_loop3A_587 : i32 to index
      %parallel_loop3A_589 = arith.index_cast %parallel_loop3A_586 : i32 to index
      %parallel_loop3A_590 = arith.constant 0 : index
      %parallel_loop3A_591 = tpu.vector_load %arg5[%parallel_loop3A_588, %parallel_loop3A_589, %parallel_loop3A_590] {strides = array<i32>} : memref<2x64x64xf32, #tpu.memory_space<vmem>>, vector<16xf32>,
      tpu.vector_store %arg5[%parallel_loop3A_588, %parallel_loop3A_589, %parallel_loop3A_590], %parallel_loop3A_582 {strides = array<i32>} : memref<2x64x64xf32, #tpu.memory_space<vmem>>, vector<16xf32>,
      %parallel_loop3A_592 = arith.addf %parallel_loop3A_311, %gather3A_83 : vector<16xf32>
      %parallel_loop3A_593 = arith.constant 8 : i32
      %parallel_loop3A_594 = arith.muli %parallel_loop3A_281, %parallel_loop3A_593 : i32
      %parallel_loop3A_595 = arith.constant 6 : i32
      %parallel_loop3A_596 = arith.addi %parallel_loop3A_594, %parallel_loop3A_595 : i32
      %parallel_loop3A_597 = arith.constant 0 : i32
      %parallel_loop3A_598 = arith.index_cast %parallel_loop3A_597 : i32 to index
      %parallel_loop3A_599 = arith.index_cast %parallel_loop3A_596 : i32 to index
      %parallel_loop3A_600 = arith.constant 16 : index
      %parallel_loop3A_601 = tpu.vector_load %arg5[%parallel_loop3A_598, %parallel_loop3A_599, %parallel_loop3A_600] {strides = array<i32>} : memref<2x64x64xf32, #tpu.memory_space<vmem>>, vector<16xf32>,
      tpu.vector_store %arg5[%parallel_loop3A_598, %parallel_loop3A_599, %parallel_loop3A_600], %parallel_loop3A_592 {strides = array<i32>} : memref<2x64x64xf32, #tpu.memory_space<vmem>>, vector<16xf32>,
      %parallel_loop3A_602 = arith.addf %parallel_loop3A_326, %gather3A_83 : vector<16xf32>
      %parallel_loop3A_603 = arith.constant 8 : i32
      %parallel_loop3A_604 = arith.muli %parallel_loop3A_281, %parallel_loop3A_603 : i32
      %parallel_loop3A_605 = arith.constant 6 : i32
      %parallel_loop3A_606 = arith.addi %parallel_loop3A_604, %parallel_loop3A_605 : i32
      %parallel_loop3A_607 = arith.constant 0 : i32
      %parallel_loop3A_608 = arith.index_cast %parallel_loop3A_607 : i32 to index
      %parallel_loop3A_609 = arith.index_cast %parallel_loop3A_606 : i32 to index
      %parallel_loop3A_610 = arith.constant 32 : index
      %parallel_loop3A_611 = tpu.vector_load %arg5[%parallel_loop3A_608, %parallel_loop3A_609, %parallel_loop3A_610] {strides = array<i32>} : memref<2x64x64xf32, #tpu.memory_space<vmem>>, vector<16xf32>,
      tpu.vector_store %arg5[%parallel_loop3A_608, %parallel_loop3A_609, %parallel_loop3A_610], %parallel_loop3A_602 {strides = array<i32>} : memref<2x64x64xf32, #tpu.memory_space<vmem>>, vector<16xf32>,
      %parallel_loop3A_612 = arith.addf %parallel_loop3A_341, %gather3A_83 : vector<16xf32>
      %parallel_loop3A_613 = arith.constant 8 : i32
      %parallel_loop3A_614 = arith.muli %parallel_loop3A_281, %parallel_loop3A_613 : i32
      %parallel_loop3A_615 = arith.constant 6 : i32
      %parallel_loop3A_616 = arith.addi %parallel_loop3A_614, %parallel_loop3A_615 : i32
      %parallel_loop3A_617 = arith.constant 0 : i32
      %parallel_loop3A_618 = arith.index_cast %parallel_loop3A_617 : i32 to index
      %parallel_loop3A_619 = arith.index_cast %parallel_loop3A_616 : i32 to index
      %parallel_loop3A_620 = arith.constant 48 : index
      %parallel_loop3A_621 = tpu.vector_load %arg5[%parallel_loop3A_618, %parallel_loop3A_619, %parallel_loop3A_620] {strides = array<i32>} : memref<2x64x64xf32, #tpu.memory_space<vmem>>, vector<16xf32>,
      tpu.vector_store %arg5[%parallel_loop3A_618, %parallel_loop3A_619, %parallel_loop3A_620], %parallel_loop3A_612 {strides = array<i32>} : memref<2x64x64xf32, #tpu.memory_space<vmem>>, vector<16xf32>,
      %parallel_loop3A_622 = arith.addf %parallel_loop3A_296, %gather3A_95 : vector<16xf32>
      %parallel_loop3A_623 = arith.constant 8 : i32
      %parallel_loop3A_624 = arith.muli %parallel_loop3A_281, %parallel_loop3A_623 : i32
      %parallel_loop3A_625 = arith.constant 7 : i32
      %parallel_loop3A_626 = arith.addi %parallel_loop3A_624, %parallel_loop3A_625 : i32
      %parallel_loop3A_627 = arith.constant 0 : i32
      %parallel_loop3A_628 = arith.index_cast %parallel_loop3A_627 : i32 to index
      %parallel_loop3A_629 = arith.index_cast %parallel_loop3A_626 : i32 to index
      %parallel_loop3A_630 = arith.constant 0 : index
      %parallel_loop3A_631 = tpu.vector_load %arg5[%parallel_loop3A_628, %parallel_loop3A_629, %parallel_loop3A_630] {strides = array<i32>} : memref<2x64x64xf32, #tpu.memory_space<vmem>>, vector<16xf32>,
      tpu.vector_store %arg5[%parallel_loop3A_628, %parallel_loop3A_629, %parallel_loop3A_630], %parallel_loop3A_622 {strides = array<i32>} : memref<2x64x64xf32, #tpu.memory_space<vmem>>, vector<16xf32>,
      %parallel_loop3A_632 = arith.addf %parallel_loop3A_311, %gather3A_95 : vector<16xf32>
      %parallel_loop3A_633 = arith.constant 8 : i32
      %parallel_loop3A_634 = arith.muli %parallel_loop3A_281, %parallel_loop3A_633 : i32
      %parallel_loop3A_635 = arith.constant 7 : i32
      %parallel_loop3A_636 = arith.addi %parallel_loop3A_634, %parallel_loop3A_635 : i32
      %parallel_loop3A_637 = arith.constant 0 : i32
      %parallel_loop3A_638 = arith.index_cast %parallel_loop3A_637 : i32 to index
      %parallel_loop3A_639 = arith.index_cast %parallel_loop3A_636 : i32 to index
      %parallel_loop3A_640 = arith.constant 16 : index
      %parallel_loop3A_641 = tpu.vector_load %arg5[%parallel_loop3A_638, %parallel_loop3A_639, %parallel_loop3A_640] {strides = array<i32>} : memref<2x64x64xf32, #tpu.memory_space<vmem>>, vector<16xf32>,
      tpu.vector_store %arg5[%parallel_loop3A_638, %parallel_loop3A_639, %parallel_loop3A_640], %parallel_loop3A_632 {strides = array<i32>} : memref<2x64x64xf32, #tpu.memory_space<vmem>>, vector<16xf32>,
      %parallel_loop3A_642 = arith.addf %parallel_loop3A_326, %gather3A_95 : vector<16xf32>
      %parallel_loop3A_643 = arith.constant 8 : i32
      %parallel_loop3A_644 = arith.muli %parallel_loop3A_281, %parallel_loop3A_643 : i32
      %parallel_loop3A_645 = arith.constant 7 : i32
      %parallel_loop3A_646 = arith.addi %parallel_loop3A_644, %parallel_loop3A_645 : i32
      %parallel_loop3A_647 = arith.constant 0 : i32
      %parallel_loop3A_648 = arith.index_cast %parallel_loop3A_647 : i32 to index
      %parallel_loop3A_649 = arith.index_cast %parallel_loop3A_646 : i32 to index
      %parallel_loop3A_650 = arith.constant 32 : index
      %parallel_loop3A_651 = tpu.vector_load %arg5[%parallel_loop3A_648, %parallel_loop3A_649, %parallel_loop3A_650] {strides = array<i32>} : memref<2x64x64xf32, #tpu.memory_space<vmem>>, vector<16xf32>,
      tpu.vector_store %arg5[%parallel_loop3A_648, %parallel_loop3A_649, %parallel_loop3A_650], %parallel_loop3A_642 {strides = array<i32>} : memref<2x64x64xf32, #tpu.memory_space<vmem>>, vector<16xf32>,
      %parallel_loop3A_652 = arith.addf %parallel_loop3A_341, %gather3A_95 : vector<16xf32>
      %parallel_loop3A_653 = arith.constant 8 : i32
      %parallel_loop3A_654 = arith.muli %parallel_loop3A_281, %parallel_loop3A_653 : i32
      %parallel_loop3A_655 = arith.constant 7 : i32
      %parallel_loop3A_656 = arith.addi %parallel_loop3A_654, %parallel_loop3A_655 : i32
      %parallel_loop3A_657 = arith.constant 0 : i32
      %parallel_loop3A_658 = arith.index_cast %parallel_loop3A_657 : i32 to index
      %parallel_loop3A_659 = arith.index_cast %parallel_loop3A_656 : i32 to index
      %parallel_loop3A_660 = arith.constant 48 : index
      %parallel_loop3A_661 = tpu.vector_load %arg5[%parallel_loop3A_658, %parallel_loop3A_659, %parallel_loop3A_660] {strides = array<i32>} : memref<2x64x64xf32, #tpu.memory_space<vmem>>, vector<16xf32>,
      tpu.vector_store %arg5[%parallel_loop3A_658, %parallel_loop3A_659, %parallel_loop3A_660], %parallel_loop3A_652 {strides = array<i32>} : memref<2x64x64xf32, #tpu.memory_space<vmem>>, vector<16xf32>,
    } {sc.loop_unroll_factor = 2 : i64, sc.parallel_access}
    %mul3A_99 = arith.constant 2 : i32
    %mul3A_100 = arith.muli %mul3A_99, %arg1 : i32
    %dma_start3A = arith.constant 0 : i32
    %dma_start3A_101 = arith.constant 0 : i32
    %dma_start3A_102 = arith.constant 0 : i32
    %dma_start3A_103 = arith.constant 0 : i32
    %dma_start3A_104 = tpu.memref_slice %arg5[%dma_start3A, %dma_start3A_102, %dma_start3A_103] : memref<2x64x64xf32, #tpu.memory_space<vmem>> -> memref<1x64x64xf32, #tpu.memory_space<vmem>>
    %dma_start3A_105 = tpu.memref_squeeze %dma_start3A_104 : memref<1x64x64xf32, #tpu.memory_space<vmem>> -> memref<64x64xf32, #tpu.memory_space<vmem>>
    %dma_start3A_106 = arith.constant 0 : i32
    %dma_start3A_107 = arith.constant 0 : i32
    %dma_start3A_108 = tpu.memref_slice %arg3[%dma_start3A_101, %mul3A_100, %dma_start3A_106, %dma_start3A_107] : memref<1x32x64x64xf32, #tpu.memory_space<hbm>> -> memref<1x1x64x64xf32, #tpu.memory_space<hbm>>
    %dma_start3A_109 = tpu.memref_squeeze %dma_start3A_108 : memref<1x1x64x64xf32, #tpu.memory_space<hbm>> -> memref<64x64xf32, #tpu.memory_space<hbm>>
    %dma_start3A_110 = arith.constant 0 : i32
    %dma_start3A_111 = arith.constant 0 : i32
    %dma_start3A_112 = tpu.memref_slice %arg3[%dma_start3A_101, %mul3A_100, %dma_start3A_110, %dma_start3A_111] : memref<1x32x64x64xf32, #tpu.memory_space<hbm>> -> memref<1x1x64x64xf32, #tpu.memory_space<hbm>>
    %dma_start3A_113 = tpu.memref_squeeze %dma_start3A_112 : memref<1x1x64x64xf32, #tpu.memory_space<hbm>> -> memref<64x64xf32, #tpu.memory_space<hbm>>
    %dma_start3A_114 = arith.constant 0 : i32
    %dma_start3A_115 = arith.constant 0 : i32
    %dma_start3A_116 = tpu.memref_slice %arg5[%dma_start3A, %dma_start3A_114, %dma_start3A_115] : memref<2x64x64xf32, #tpu.memory_space<vmem>> -> memref<1x64x64xf32, #tpu.memory_space<vmem>>
    %dma_start3A_117 = tpu.memref_squeeze %dma_start3A_116 : memref<1x64x64xf32, #tpu.memory_space<vmem>> -> memref<64x64xf32, #tpu.memory_space<vmem>>
    tpu.enqueue_dma source(%dma_start3A_117 : memref<64x64xf32, #tpu.memory_space<vmem>>) target(%dma_start3A_113 : memref<64x64xf32, #tpu.memory_space<hbm>>) target_semaphore(%arg6 : memref<!tpu.dma_semaphore, #tpu.memory_space<semaphore_mem>>)
    %broadcast_in_dim3A_118 = arith.constant 1 : i32
    %broadcast_in_dim3A_119 = vector.broadcast %broadcast_in_dim3A_118 : i32 to vector<16xi32>
    %mul3A_120 = arith.constant 2 : i32
    %mul3A_121 = arith.muli %mul3A_120, %arg1 : i32
    %add3A_122 = vector.broadcast %mul3A_121 : i32 to vector<16xi32>
    %add3A_123 = arith.addi %broadcast_in_dim3A_119, %add3A_122 : vector<16xi32>
    %and3A_124 = arith.constant 7 : i32
    %and3A_125 = vector.broadcast %and3A_124 : i32 to vector<16xi32>
    %and3A_126 = arith.andi %iota3A, %and3A_125 : vector<16xi32>
    %sub3A_127 = arith.constant 7 : i32
    %sub3A_128 = vector.broadcast %sub3A_127 : i32 to vector<16xi32>
    %sub3A_129 = arith.subi %sub3A_128, %and3A_126 : vector<16xi32>
    %gather3A_130 = arith.constant 1 : i32
    %gather3A_131 = arith.constant 0 : i32
    %gather3A_132 = arith.constant 0 : i32
    %gather3A_133 = tpu.memref_slice %arg4[%gather3A_130, %gather3A_131, %gather3A_132] : memref<2x15x32xf32, #tpu.memory_space<vmem>> -> memref<1x15x32xf32, #tpu.memory_space<vmem>>
    %gather3A_134 = tpu.memref_squeeze %gather3A_133 : memref<1x15x32xf32, #tpu.memory_space<vmem>> -> memref<15x32xf32, #tpu.memory_space<vmem>>
    %gather3A_135 = tpu.vector_load_idx %gather3A_134[%sub3A_129, %add3A_123] : memref<15x32xf32, #tpu.memory_space<vmem>>[vector<16xi32>, vector<16xi32>], vector<16xf32>,
    %and3A_136 = arith.constant 7 : i32
    %and3A_137 = vector.broadcast %and3A_136 : i32 to vector<16xi32>
    %and3A_138 = arith.andi %iota3A, %and3A_137 : vector<16xi32>
    %sub3A_139 = arith.constant 8 : i32
    %sub3A_140 = vector.broadcast %sub3A_139 : i32 to vector<16xi32>
    %sub3A_141 = arith.subi %sub3A_140, %and3A_138 : vector<16xi32>
    %gather3A_142 = arith.constant 1 : i32
    %gather3A_143 = arith.constant 0 : i32
    %gather3A_144 = arith.constant 0 : i32
    %gather3A_145 = tpu.memref_slice %arg4[%gather3A_142, %gather3A_143, %gather3A_144] : memref<2x15x32xf32, #tpu.memory_space<vmem>> -> memref<1x15x32xf32, #tpu.memory_space<vmem>>
    %gather3A_146 = tpu.memref_squeeze %gather3A_145 : memref<1x15x32xf32, #tpu.memory_space<vmem>> -> memref<15x32xf32, #tpu.memory_space<vmem>>
    %gather3A_147 = tpu.vector_load_idx %gather3A_146[%sub3A_141, %add3A_123] : memref<15x32xf32, #tpu.memory_space<vmem>>[vector<16xi32>, vector<16xi32>], vector<16xf32>,
    %and3A_148 = arith.constant 7 : i32
    %and3A_149 = vector.broadcast %and3A_148 : i32 to vector<16xi32>
    %and3A_150 = arith.andi %iota3A, %and3A_149 : vector<16xi32>
    %sub3A_151 = arith.constant 9 : i32
    %sub3A_152 = vector.broadcast %sub3A_151 : i32 to vector<16xi32>
    %sub3A_153 = arith.subi %sub3A_152, %and3A_150 : vector<16xi32>
    %gather3A_154 = arith.constant 1 : i32
    %gather3A_155 = arith.constant 0 : i32
    %gather3A_156 = arith.constant 0 : i32
    %gather3A_157 = tpu.memref_slice %arg4[%gather3A_154, %gather3A_155, %gather3A_156] : memref<2x15x32xf32, #tpu.memory_space<vmem>> -> memref<1x15x32xf32, #tpu.memory_space<vmem>>
    %gather3A_158 = tpu.memref_squeeze %gather3A_157 : memref<1x15x32xf32, #tpu.memory_space<vmem>> -> memref<15x32xf32, #tpu.memory_space<vmem>>
    %gather3A_159 = tpu.vector_load_idx %gather3A_158[%sub3A_153, %add3A_123] : memref<15x32xf32, #tpu.memory_space<vmem>>[vector<16xi32>, vector<16xi32>], vector<16xf32>,
    %and3A_160 = arith.constant 7 : i32
    %and3A_161 = vector.broadcast %and3A_160 : i32 to vector<16xi32>
    %and3A_162 = arith.andi %iota3A, %and3A_161 : vector<16xi32>
    %sub3A_163 = arith.constant 10 : i32
    %sub3A_164 = vector.broadcast %sub3A_163 : i32 to vector<16xi32>
    %sub3A_165 = arith.subi %sub3A_164, %and3A_162 : vector<16xi32>
    %gather3A_166 = arith.constant 1 : i32
    %gather3A_167 = arith.constant 0 : i32
    %gather3A_168 = arith.constant 0 : i32
    %gather3A_169 = tpu.memref_slice %arg4[%gather3A_166, %gather3A_167, %gather3A_168] : memref<2x15x32xf32, #tpu.memory_space<vmem>> -> memref<1x15x32xf32, #tpu.memory_space<vmem>>
    %gather3A_170 = tpu.memref_squeeze %gather3A_169 : memref<1x15x32xf32, #tpu.memory_space<vmem>> -> memref<15x32xf32, #tpu.memory_space<vmem>>
    %gather3A_171 = tpu.vector_load_idx %gather3A_170[%sub3A_165, %add3A_123] : memref<15x32xf32, #tpu.memory_space<vmem>>[vector<16xi32>, vector<16xi32>], vector<16xf32>,
    %and3A_172 = arith.constant 7 : i32
    %and3A_173 = vector.broadcast %and3A_172 : i32 to vector<16xi32>
    %and3A_174 = arith.andi %iota3A, %and3A_173 : vector<16xi32>
    %sub3A_175 = arith.constant 11 : i32
    %sub3A_176 = vector.broadcast %sub3A_175 : i32 to vector<16xi32>
    %sub3A_177 = arith.subi %sub3A_176, %and3A_174 : vector<16xi32>
    %gather3A_178 = arith.constant 1 : i32
    %gather3A_179 = arith.constant 0 : i32
    %gather3A_180 = arith.constant 0 : i32
    %gather3A_181 = tpu.memref_slice %arg4[%gather3A_178, %gather3A_179, %gather3A_180] : memref<2x15x32xf32, #tpu.memory_space<vmem>> -> memref<1x15x32xf32, #tpu.memory_space<vmem>>
    %gather3A_182 = tpu.memref_squeeze %gather3A_181 : memref<1x15x32xf32, #tpu.memory_space<vmem>> -> memref<15x32xf32, #tpu.memory_space<vmem>>
    %gather3A_183 = tpu.vector_load_idx %gather3A_182[%sub3A_177, %add3A_123] : memref<15x32xf32, #tpu.memory_space<vmem>>[vector<16xi32>, vector<16xi32>], vector<16xf32>,
    %and3A_184 = arith.constant 7 : i32
    %and3A_185 = vector.broadcast %and3A_184 : i32 to vector<16xi32>
    %and3A_186 = arith.andi %iota3A, %and3A_185 : vector<16xi32>
    %sub3A_187 = arith.constant 12 : i32
    %sub3A_188 = vector.broadcast %sub3A_187 : i32 to vector<16xi32>
    %sub3A_189 = arith.subi %sub3A_188, %and3A_186 : vector<16xi32>
    %gather3A_190 = arith.constant 1 : i32
    %gather3A_191 = arith.constant 0 : i32
    %gather3A_192 = arith.constant 0 : i32
    %gather3A_193 = tpu.memref_slice %arg4[%gather3A_190, %gather3A_191, %gather3A_192] : memref<2x15x32xf32, #tpu.memory_space<vmem>> -> memref<1x15x32xf32, #tpu.memory_space<vmem>>
    %gather3A_194 = tpu.memref_squeeze %gather3A_193 : memref<1x15x32xf32, #tpu.memory_space<vmem>> -> memref<15x32xf32, #tpu.memory_space<vmem>>
    %gather3A_195 = tpu.vector_load_idx %gather3A_194[%sub3A_189, %add3A_123] : memref<15x32xf32, #tpu.memory_space<vmem>>[vector<16xi32>, vector<16xi32>], vector<16xf32>,
    %and3A_196 = arith.constant 7 : i32
    %and3A_197 = vector.broadcast %and3A_196 : i32 to vector<16xi32>
    %and3A_198 = arith.andi %iota3A, %and3A_197 : vector<16xi32>
    %sub3A_199 = arith.constant 13 : i32
    %sub3A_200 = vector.broadcast %sub3A_199 : i32 to vector<16xi32>
    %sub3A_201 = arith.subi %sub3A_200, %and3A_198 : vector<16xi32>
    %gather3A_202 = arith.constant 1 : i32
    %gather3A_203 = arith.constant 0 : i32
    %gather3A_204 = arith.constant 0 : i32
    %gather3A_205 = tpu.memref_slice %arg4[%gather3A_202, %gather3A_203, %gather3A_204] : memref<2x15x32xf32, #tpu.memory_space<vmem>> -> memref<1x15x32xf32, #tpu.memory_space<vmem>>
    %gather3A_206 = tpu.memref_squeeze %gather3A_205 : memref<1x15x32xf32, #tpu.memory_space<vmem>> -> memref<15x32xf32, #tpu.memory_space<vmem>>
    %gather3A_207 = tpu.vector_load_idx %gather3A_206[%sub3A_201, %add3A_123] : memref<15x32xf32, #tpu.memory_space<vmem>>[vector<16xi32>, vector<16xi32>], vector<16xf32>,
    %and3A_208 = arith.constant 7 : i32
    %and3A_209 = vector.broadcast %and3A_208 : i32 to vector<16xi32>
    %and3A_210 = arith.andi %iota3A, %and3A_209 : vector<16xi32>
    %sub3A_211 = arith.constant 14 : i32
    %sub3A_212 = vector.broadcast %sub3A_211 : i32 to vector<16xi32>
    %sub3A_213 = arith.subi %sub3A_212, %and3A_210 : vector<16xi32>
    %gather3A_214 = arith.constant 1 : i32
    %gather3A_215 = arith.constant 0 : i32
    %gather3A_216 = arith.constant 0 : i32
    %gather3A_217 = tpu.memref_slice %arg4[%gather3A_214, %gather3A_215, %gather3A_216] : memref<2x15x32xf32, #tpu.memory_space<vmem>> -> memref<1x15x32xf32, #tpu.memory_space<vmem>>
    %gather3A_218 = tpu.memref_squeeze %gather3A_217 : memref<1x15x32xf32, #tpu.memory_space<vmem>> -> memref<15x32xf32, #tpu.memory_space<vmem>>
    %gather3A_219 = tpu.vector_load_idx %gather3A_218[%sub3A_213, %add3A_123] : memref<15x32xf32, #tpu.memory_space<vmem>>[vector<16xi32>, vector<16xi32>], vector<16xf32>,
    %parallel_loop3A_220 = arith.constant 0 : i32
    %parallel_loop3A_221 = arith.constant 8 : i32
    %parallel_loop3A_222 = arith.constant 1 : i32
    %parallel_loop3A_223 = arith.constant 0 : i32
    scf.for %parallel_loop3A_281 = %parallel_loop3A_220 to %parallel_loop3A_221 step %parallel_loop3A_222  : i32 {
      %parallel_loop3A_282 = arith.constant 7 : i32
      %parallel_loop3A_283 = arith.addi %parallel_loop3A_281, %parallel_loop3A_282 : i32
      %parallel_loop3A_284 = arith.constant 0 : i32
      %parallel_loop3A_285 = vector.broadcast %parallel_loop3A_284 : i32 to vector<16xi32>
      %parallel_loop3A_286 = arith.addi %parallel_loop3A_285, %iota3A : vector<16xi32>
      %parallel_loop3A_287 = arith.constant 3 : i32
      %parallel_loop3A_288 = vector.broadcast %parallel_loop3A_287 : i32 to vector<16xi32>
      %parallel_loop3A_289 = arith.shrsi %parallel_loop3A_286, %parallel_loop3A_288 : vector<16xi32>
      %parallel_loop3A_290 = vector.broadcast %parallel_loop3A_283 : i32 to vector<16xi32>
      %parallel_loop3A_291 = arith.subi %parallel_loop3A_290, %parallel_loop3A_289 : vector<16xi32>
      %parallel_loop3A_292 = arith.constant 0 : i32
      %parallel_loop3A_293 = arith.constant 0 : i32
      %parallel_loop3A_294 = tpu.memref_slice %arg4[%parallel_loop3A_223, %parallel_loop3A_292, %parallel_loop3A_293] : memref<2x15x32xf32, #tpu.memory_space<vmem>> -> memref<1x15x32xf32, #tpu.memory_space<vmem>>
      %parallel_loop3A_295 = tpu.memref_squeeze %parallel_loop3A_294 : memref<1x15x32xf32, #tpu.memory_space<vmem>> -> memref<15x32xf32, #tpu.memory_space<vmem>>
      %parallel_loop3A_296 = tpu.vector_load_idx %parallel_loop3A_295[%parallel_loop3A_291, %add3A_123] : memref<15x32xf32, #tpu.memory_space<vmem>>[vector<16xi32>, vector<16xi32>], vector<16xf32>,
      %parallel_loop3A_297 = arith.constant 7 : i32
      %parallel_loop3A_298 = arith.addi %parallel_loop3A_281, %parallel_loop3A_297 : i32
      %parallel_loop3A_299 = arith.constant 16 : i32
      %parallel_loop3A_300 = vector.broadcast %parallel_loop3A_299 : i32 to vector<16xi32>
      %parallel_loop3A_301 = arith.addi %parallel_loop3A_300, %iota3A : vector<16xi32>
      %parallel_loop3A_302 = arith.constant 3 : i32
      %parallel_loop3A_303 = vector.broadcast %parallel_loop3A_302 : i32 to vector<16xi32>
      %parallel_loop3A_304 = arith.shrsi %parallel_loop3A_301, %parallel_loop3A_303 : vector<16xi32>
      %parallel_loop3A_305 = vector.broadcast %parallel_loop3A_298 : i32 to vector<16xi32>
      %parallel_loop3A_306 = arith.subi %parallel_loop3A_305, %parallel_loop3A_304 : vector<16xi32>
      %parallel_loop3A_307 = arith.constant 0 : i32
      %parallel_loop3A_308 = arith.constant 0 : i32
      %parallel_loop3A_309 = tpu.memref_slice %arg4[%parallel_loop3A_223, %parallel_loop3A_307, %parallel_loop3A_308] : memref<2x15x32xf32, #tpu.memory_space<vmem>> -> memref<1x15x32xf32, #tpu.memory_space<vmem>>
      %parallel_loop3A_310 = tpu.memref_squeeze %parallel_loop3A_309 : memref<1x15x32xf32, #tpu.memory_space<vmem>> -> memref<15x32xf32, #tpu.memory_space<vmem>>
      %parallel_loop3A_311 = tpu.vector_load_idx %parallel_loop3A_310[%parallel_loop3A_306, %add3A_123] : memref<15x32xf32, #tpu.memory_space<vmem>>[vector<16xi32>, vector<16xi32>], vector<16xf32>,
      %parallel_loop3A_312 = arith.constant 7 : i32
      %parallel_loop3A_313 = arith.addi %parallel_loop3A_281, %parallel_loop3A_312 : i32
      %parallel_loop3A_314 = arith.constant 32 : i32
      %parallel_loop3A_315 = vector.broadcast %parallel_loop3A_314 : i32 to vector<16xi32>
      %parallel_loop3A_316 = arith.addi %parallel_loop3A_315, %iota3A : vector<16xi32>
      %parallel_loop3A_317 = arith.constant 3 : i32
      %parallel_loop3A_318 = vector.broadcast %parallel_loop3A_317 : i32 to vector<16xi32>
      %parallel_loop3A_319 = arith.shrsi %parallel_loop3A_316, %parallel_loop3A_318 : vector<16xi32>
      %parallel_loop3A_320 = vector.broadcast %parallel_loop3A_313 : i32 to vector<16xi32>
      %parallel_loop3A_321 = arith.subi %parallel_loop3A_320, %parallel_loop3A_319 : vector<16xi32>
      %parallel_loop3A_322 = arith.constant 0 : i32
      %parallel_loop3A_323 = arith.constant 0 : i32
      %parallel_loop3A_324 = tpu.memref_slice %arg4[%parallel_loop3A_223, %parallel_loop3A_322, %parallel_loop3A_323] : memref<2x15x32xf32, #tpu.memory_space<vmem>> -> memref<1x15x32xf32, #tpu.memory_space<vmem>>
      %parallel_loop3A_325 = tpu.memref_squeeze %parallel_loop3A_324 : memref<1x15x32xf32, #tpu.memory_space<vmem>> -> memref<15x32xf32, #tpu.memory_space<vmem>>
      %parallel_loop3A_326 = tpu.vector_load_idx %parallel_loop3A_325[%parallel_loop3A_321, %add3A_123] : memref<15x32xf32, #tpu.memory_space<vmem>>[vector<16xi32>, vector<16xi32>], vector<16xf32>,
      %parallel_loop3A_327 = arith.constant 7 : i32
      %parallel_loop3A_328 = arith.addi %parallel_loop3A_281, %parallel_loop3A_327 : i32
      %parallel_loop3A_329 = arith.constant 48 : i32
      %parallel_loop3A_330 = vector.broadcast %parallel_loop3A_329 : i32 to vector<16xi32>
      %parallel_loop3A_331 = arith.addi %parallel_loop3A_330, %iota3A : vector<16xi32>
      %parallel_loop3A_332 = arith.constant 3 : i32
      %parallel_loop3A_333 = vector.broadcast %parallel_loop3A_332 : i32 to vector<16xi32>
      %parallel_loop3A_334 = arith.shrsi %parallel_loop3A_331, %parallel_loop3A_333 : vector<16xi32>
      %parallel_loop3A_335 = vector.broadcast %parallel_loop3A_328 : i32 to vector<16xi32>
      %parallel_loop3A_336 = arith.subi %parallel_loop3A_335, %parallel_loop3A_334 : vector<16xi32>
      %parallel_loop3A_337 = arith.constant 0 : i32
      %parallel_loop3A_338 = arith.constant 0 : i32
      %parallel_loop3A_339 = tpu.memref_slice %arg4[%parallel_loop3A_223, %parallel_loop3A_337, %parallel_loop3A_338] : memref<2x15x32xf32, #tpu.memory_space<vmem>> -> memref<1x15x32xf32, #tpu.memory_space<vmem>>
      %parallel_loop3A_340 = tpu.memref_squeeze %parallel_loop3A_339 : memref<1x15x32xf32, #tpu.memory_space<vmem>> -> memref<15x32xf32, #tpu.memory_space<vmem>>
      %parallel_loop3A_341 = tpu.vector_load_idx %parallel_loop3A_340[%parallel_loop3A_336, %add3A_123] : memref<15x32xf32, #tpu.memory_space<vmem>>[vector<16xi32>, vector<16xi32>], vector<16xf32>,
      %parallel_loop3A_342 = arith.addf %parallel_loop3A_296, %gather3A_135 : vector<16xf32>
      %parallel_loop3A_343 = arith.constant 8 : i32
      %parallel_loop3A_344 = arith.muli %parallel_loop3A_281, %parallel_loop3A_343 : i32
      %parallel_loop3A_345 = arith.constant 0 : i32
      %parallel_loop3A_346 = arith.addi %parallel_loop3A_344, %parallel_loop3A_345 : i32
      %parallel_loop3A_347 = arith.constant 1 : i32
      %parallel_loop3A_348 = arith.index_cast %parallel_loop3A_347 : i32 to index
      %parallel_loop3A_349 = arith.index_cast %parallel_loop3A_346 : i32 to index
      %parallel_loop3A_350 = arith.constant 0 : index
      %parallel_loop3A_351 = tpu.vector_load %arg5[%parallel_loop3A_348, %parallel_loop3A_349, %parallel_loop3A_350] {strides = array<i32>} : memref<2x64x64xf32, #tpu.memory_space<vmem>>, vector<16xf32>,
      tpu.vector_store %arg5[%parallel_loop3A_348, %parallel_loop3A_349, %parallel_loop3A_350], %parallel_loop3A_342 {strides = array<i32>} : memref<2x64x64xf32, #tpu.memory_space<vmem>>, vector<16xf32>,
      %parallel_loop3A_352 = arith.addf %parallel_loop3A_311, %gather3A_135 : vector<16xf32>
      %parallel_loop3A_353 = arith.constant 8 : i32
      %parallel_loop3A_354 = arith.muli %parallel_loop3A_281, %parallel_loop3A_353 : i32
      %parallel_loop3A_355 = arith.constant 0 : i32
      %parallel_loop3A_356 = arith.addi %parallel_loop3A_354, %parallel_loop3A_355 : i32
      %parallel_loop3A_357 = arith.constant 1 : i32
      %parallel_loop3A_358 = arith.index_cast %parallel_loop3A_357 : i32 to index
      %parallel_loop3A_359 = arith.index_cast %parallel_loop3A_356 : i32 to index
      %parallel_loop3A_360 = arith.constant 16 : index
      %parallel_loop3A_361 = tpu.vector_load %arg5[%parallel_loop3A_358, %parallel_loop3A_359, %parallel_loop3A_360] {strides = array<i32>} : memref<2x64x64xf32, #tpu.memory_space<vmem>>, vector<16xf32>,
      tpu.vector_store %arg5[%parallel_loop3A_358, %parallel_loop3A_359, %parallel_loop3A_360], %parallel_loop3A_352 {strides = array<i32>} : memref<2x64x64xf32, #tpu.memory_space<vmem>>, vector<16xf32>,
      %parallel_loop3A_362 = arith.addf %parallel_loop3A_326, %gather3A_135 : vector<16xf32>
      %parallel_loop3A_363 = arith.constant 8 : i32
      %parallel_loop3A_364 = arith.muli %parallel_loop3A_281, %parallel_loop3A_363 : i32
      %parallel_loop3A_365 = arith.constant 0 : i32
      %parallel_loop3A_366 = arith.addi %parallel_loop3A_364, %parallel_loop3A_365 : i32
      %parallel_loop3A_367 = arith.constant 1 : i32
      %parallel_loop3A_368 = arith.index_cast %parallel_loop3A_367 : i32 to index
      %parallel_loop3A_369 = arith.index_cast %parallel_loop3A_366 : i32 to index
      %parallel_loop3A_370 = arith.constant 32 : index
      %parallel_loop3A_371 = tpu.vector_load %arg5[%parallel_loop3A_368, %parallel_loop3A_369, %parallel_loop3A_370] {strides = array<i32>} : memref<2x64x64xf32, #tpu.memory_space<vmem>>, vector<16xf32>,
      tpu.vector_store %arg5[%parallel_loop3A_368, %parallel_loop3A_369, %parallel_loop3A_370], %parallel_loop3A_362 {strides = array<i32>} : memref<2x64x64xf32, #tpu.memory_space<vmem>>, vector<16xf32>,
      %parallel_loop3A_372 = arith.addf %parallel_loop3A_341, %gather3A_135 : vector<16xf32>
      %parallel_loop3A_373 = arith.constant 8 : i32
      %parallel_loop3A_374 = arith.muli %parallel_loop3A_281, %parallel_loop3A_373 : i32
      %parallel_loop3A_375 = arith.constant 0 : i32
      %parallel_loop3A_376 = arith.addi %parallel_loop3A_374, %parallel_loop3A_375 : i32
      %parallel_loop3A_377 = arith.constant 1 : i32
      %parallel_loop3A_378 = arith.index_cast %parallel_loop3A_377 : i32 to index
      %parallel_loop3A_379 = arith.index_cast %parallel_loop3A_376 : i32 to index
      %parallel_loop3A_380 = arith.constant 48 : index
      %parallel_loop3A_381 = tpu.vector_load %arg5[%parallel_loop3A_378, %parallel_loop3A_379, %parallel_loop3A_380] {strides = array<i32>} : memref<2x64x64xf32, #tpu.memory_space<vmem>>, vector<16xf32>,
      tpu.vector_store %arg5[%parallel_loop3A_378, %parallel_loop3A_379, %parallel_loop3A_380], %parallel_loop3A_372 {strides = array<i32>} : memref<2x64x64xf32, #tpu.memory_space<vmem>>, vector<16xf32>,
      %parallel_loop3A_382 = arith.addf %parallel_loop3A_296, %gather3A_147 : vector<16xf32>
      %parallel_loop3A_383 = arith.constant 8 : i32
      %parallel_loop3A_384 = arith.muli %parallel_loop3A_281, %parallel_loop3A_383 : i32
      %parallel_loop3A_385 = arith.constant 1 : i32
      %parallel_loop3A_386 = arith.addi %parallel_loop3A_384, %parallel_loop3A_385 : i32
      %parallel_loop3A_387 = arith.constant 1 : i32
      %parallel_loop3A_388 = arith.index_cast %parallel_loop3A_387 : i32 to index
      %parallel_loop3A_389 = arith.index_cast %parallel_loop3A_386 : i32 to index
      %parallel_loop3A_390 = arith.constant 0 : index
      %parallel_loop3A_391 = tpu.vector_load %arg5[%parallel_loop3A_388, %parallel_loop3A_389, %parallel_loop3A_390] {strides = array<i32>} : memref<2x64x64xf32, #tpu.memory_space<vmem>>, vector<16xf32>,
      tpu.vector_store %arg5[%parallel_loop3A_388, %parallel_loop3A_389, %parallel_loop3A_390], %parallel_loop3A_382 {strides = array<i32>} : memref<2x64x64xf32, #tpu.memory_space<vmem>>, vector<16xf32>,
      %parallel_loop3A_392 = arith.addf %parallel_loop3A_311, %gather3A_147 : vector<16xf32>
      %parallel_loop3A_393 = arith.constant 8 : i32
      %parallel_loop3A_394 = arith.muli %parallel_loop3A_281, %parallel_loop3A_393 : i32
      %parallel_loop3A_395 = arith.constant 1 : i32
      %parallel_loop3A_396 = arith.addi %parallel_loop3A_394, %parallel_loop3A_395 : i32
      %parallel_loop3A_397 = arith.constant 1 : i32
      %parallel_loop3A_398 = arith.index_cast %parallel_loop3A_397 : i32 to index
      %parallel_loop3A_399 = arith.index_cast %parallel_loop3A_396 : i32 to index
      %parallel_loop3A_400 = arith.constant 16 : index
      %parallel_loop3A_401 = tpu.vector_load %arg5[%parallel_loop3A_398, %parallel_loop3A_399, %parallel_loop3A_400] {strides = array<i32>} : memref<2x64x64xf32, #tpu.memory_space<vmem>>, vector<16xf32>,
      tpu.vector_store %arg5[%parallel_loop3A_398, %parallel_loop3A_399, %parallel_loop3A_400], %parallel_loop3A_392 {strides = array<i32>} : memref<2x64x64xf32, #tpu.memory_space<vmem>>, vector<16xf32>,
      %parallel_loop3A_402 = arith.addf %parallel_loop3A_326, %gather3A_147 : vector<16xf32>
      %parallel_loop3A_403 = arith.constant 8 : i32
      %parallel_loop3A_404 = arith.muli %parallel_loop3A_281, %parallel_loop3A_403 : i32
      %parallel_loop3A_405 = arith.constant 1 : i32
      %parallel_loop3A_406 = arith.addi %parallel_loop3A_404, %parallel_loop3A_405 : i32
      %parallel_loop3A_407 = arith.constant 1 : i32
      %parallel_loop3A_408 = arith.index_cast %parallel_loop3A_407 : i32 to index
      %parallel_loop3A_409 = arith.index_cast %parallel_loop3A_406 : i32 to index
      %parallel_loop3A_410 = arith.constant 32 : index
      %parallel_loop3A_411 = tpu.vector_load %arg5[%parallel_loop3A_408, %parallel_loop3A_409, %parallel_loop3A_410] {strides = array<i32>} : memref<2x64x64xf32, #tpu.memory_space<vmem>>, vector<16xf32>,
      tpu.vector_store %arg5[%parallel_loop3A_408, %parallel_loop3A_409, %parallel_loop3A_410], %parallel_loop3A_402 {strides = array<i32>} : memref<2x64x64xf32, #tpu.memory_space<vmem>>, vector<16xf32>,
      %parallel_loop3A_412 = arith.addf %parallel_loop3A_341, %gather3A_147 : vector<16xf32>
      %parallel_loop3A_413 = arith.constant 8 : i32
      %parallel_loop3A_414 = arith.muli %parallel_loop3A_281, %parallel_loop3A_413 : i32
      %parallel_loop3A_415 = arith.constant 1 : i32
      %parallel_loop3A_416 = arith.addi %parallel_loop3A_414, %parallel_loop3A_415 : i32
      %parallel_loop3A_417 = arith.constant 1 : i32
      %parallel_loop3A_418 = arith.index_cast %parallel_loop3A_417 : i32 to index
      %parallel_loop3A_419 = arith.index_cast %parallel_loop3A_416 : i32 to index
      %parallel_loop3A_420 = arith.constant 48 : index
      %parallel_loop3A_421 = tpu.vector_load %arg5[%parallel_loop3A_418, %parallel_loop3A_419, %parallel_loop3A_420] {strides = array<i32>} : memref<2x64x64xf32, #tpu.memory_space<vmem>>, vector<16xf32>,
      tpu.vector_store %arg5[%parallel_loop3A_418, %parallel_loop3A_419, %parallel_loop3A_420], %parallel_loop3A_412 {strides = array<i32>} : memref<2x64x64xf32, #tpu.memory_space<vmem>>, vector<16xf32>,
      %parallel_loop3A_422 = arith.addf %parallel_loop3A_296, %gather3A_159 : vector<16xf32>
      %parallel_loop3A_423 = arith.constant 8 : i32
      %parallel_loop3A_424 = arith.muli %parallel_loop3A_281, %parallel_loop3A_423 : i32
      %parallel_loop3A_425 = arith.constant 2 : i32
      %parallel_loop3A_426 = arith.addi %parallel_loop3A_424, %parallel_loop3A_425 : i32
      %parallel_loop3A_427 = arith.constant 1 : i32
      %parallel_loop3A_428 = arith.index_cast %parallel_loop3A_427 : i32 to index
      %parallel_loop3A_429 = arith.index_cast %parallel_loop3A_426 : i32 to index
      %parallel_loop3A_430 = arith.constant 0 : index
      %parallel_loop3A_431 = tpu.vector_load %arg5[%parallel_loop3A_428, %parallel_loop3A_429, %parallel_loop3A_430] {strides = array<i32>} : memref<2x64x64xf32, #tpu.memory_space<vmem>>, vector<16xf32>,
      tpu.vector_store %arg5[%parallel_loop3A_428, %parallel_loop3A_429, %parallel_loop3A_430], %parallel_loop3A_422 {strides = array<i32>} : memref<2x64x64xf32, #tpu.memory_space<vmem>>, vector<16xf32>,
      %parallel_loop3A_432 = arith.addf %parallel_loop3A_311, %gather3A_159 : vector<16xf32>
      %parallel_loop3A_433 = arith.constant 8 : i32
      %parallel_loop3A_434 = arith.muli %parallel_loop3A_281, %parallel_loop3A_433 : i32
      %parallel_loop3A_435 = arith.constant 2 : i32
      %parallel_loop3A_436 = arith.addi %parallel_loop3A_434, %parallel_loop3A_435 : i32
      %parallel_loop3A_437 = arith.constant 1 : i32
      %parallel_loop3A_438 = arith.index_cast %parallel_loop3A_437 : i32 to index
      %parallel_loop3A_439 = arith.index_cast %parallel_loop3A_436 : i32 to index
      %parallel_loop3A_440 = arith.constant 16 : index
      %parallel_loop3A_441 = tpu.vector_load %arg5[%parallel_loop3A_438, %parallel_loop3A_439, %parallel_loop3A_440] {strides = array<i32>} : memref<2x64x64xf32, #tpu.memory_space<vmem>>, vector<16xf32>,
      tpu.vector_store %arg5[%parallel_loop3A_438, %parallel_loop3A_439, %parallel_loop3A_440], %parallel_loop3A_432 {strides = array<i32>} : memref<2x64x64xf32, #tpu.memory_space<vmem>>, vector<16xf32>,
      %parallel_loop3A_442 = arith.addf %parallel_loop3A_326, %gather3A_159 : vector<16xf32>
      %parallel_loop3A_443 = arith.constant 8 : i32
      %parallel_loop3A_444 = arith.muli %parallel_loop3A_281, %parallel_loop3A_443 : i32
      %parallel_loop3A_445 = arith.constant 2 : i32
      %parallel_loop3A_446 = arith.addi %parallel_loop3A_444, %parallel_loop3A_445 : i32
      %parallel_loop3A_447 = arith.constant 1 : i32
      %parallel_loop3A_448 = arith.index_cast %parallel_loop3A_447 : i32 to index
      %parallel_loop3A_449 = arith.index_cast %parallel_loop3A_446 : i32 to index
      %parallel_loop3A_450 = arith.constant 32 : index
      %parallel_loop3A_451 = tpu.vector_load %arg5[%parallel_loop3A_448, %parallel_loop3A_449, %parallel_loop3A_450] {strides = array<i32>} : memref<2x64x64xf32, #tpu.memory_space<vmem>>, vector<16xf32>,
      tpu.vector_store %arg5[%parallel_loop3A_448, %parallel_loop3A_449, %parallel_loop3A_450], %parallel_loop3A_442 {strides = array<i32>} : memref<2x64x64xf32, #tpu.memory_space<vmem>>, vector<16xf32>,
      %parallel_loop3A_452 = arith.addf %parallel_loop3A_341, %gather3A_159 : vector<16xf32>
      %parallel_loop3A_453 = arith.constant 8 : i32
      %parallel_loop3A_454 = arith.muli %parallel_loop3A_281, %parallel_loop3A_453 : i32
      %parallel_loop3A_455 = arith.constant 2 : i32
      %parallel_loop3A_456 = arith.addi %parallel_loop3A_454, %parallel_loop3A_455 : i32
      %parallel_loop3A_457 = arith.constant 1 : i32
      %parallel_loop3A_458 = arith.index_cast %parallel_loop3A_457 : i32 to index
      %parallel_loop3A_459 = arith.index_cast %parallel_loop3A_456 : i32 to index
      %parallel_loop3A_460 = arith.constant 48 : index
      %parallel_loop3A_461 = tpu.vector_load %arg5[%parallel_loop3A_458, %parallel_loop3A_459, %parallel_loop3A_460] {strides = array<i32>} : memref<2x64x64xf32, #tpu.memory_space<vmem>>, vector<16xf32>,
      tpu.vector_store %arg5[%parallel_loop3A_458, %parallel_loop3A_459, %parallel_loop3A_460], %parallel_loop3A_452 {strides = array<i32>} : memref<2x64x64xf32, #tpu.memory_space<vmem>>, vector<16xf32>,
      %parallel_loop3A_462 = arith.addf %parallel_loop3A_296, %gather3A_171 : vector<16xf32>
      %parallel_loop3A_463 = arith.constant 8 : i32
      %parallel_loop3A_464 = arith.muli %parallel_loop3A_281, %parallel_loop3A_463 : i32
      %parallel_loop3A_465 = arith.constant 3 : i32
      %parallel_loop3A_466 = arith.addi %parallel_loop3A_464, %parallel_loop3A_465 : i32
      %parallel_loop3A_467 = arith.constant 1 : i32
      %parallel_loop3A_468 = arith.index_cast %parallel_loop3A_467 : i32 to index
      %parallel_loop3A_469 = arith.index_cast %parallel_loop3A_466 : i32 to index
      %parallel_loop3A_470 = arith.constant 0 : index
      %parallel_loop3A_471 = tpu.vector_load %arg5[%parallel_loop3A_468, %parallel_loop3A_469, %parallel_loop3A_470] {strides = array<i32>} : memref<2x64x64xf32, #tpu.memory_space<vmem>>, vector<16xf32>,
      tpu.vector_store %arg5[%parallel_loop3A_468, %parallel_loop3A_469, %parallel_loop3A_470], %parallel_loop3A_462 {strides = array<i32>} : memref<2x64x64xf32, #tpu.memory_space<vmem>>, vector<16xf32>,
      %parallel_loop3A_472 = arith.addf %parallel_loop3A_311, %gather3A_171 : vector<16xf32>
      %parallel_loop3A_473 = arith.constant 8 : i32
      %parallel_loop3A_474 = arith.muli %parallel_loop3A_281, %parallel_loop3A_473 : i32
      %parallel_loop3A_475 = arith.constant 3 : i32
      %parallel_loop3A_476 = arith.addi %parallel_loop3A_474, %parallel_loop3A_475 : i32
      %parallel_loop3A_477 = arith.constant 1 : i32
      %parallel_loop3A_478 = arith.index_cast %parallel_loop3A_477 : i32 to index
      %parallel_loop3A_479 = arith.index_cast %parallel_loop3A_476 : i32 to index
      %parallel_loop3A_480 = arith.constant 16 : index
      %parallel_loop3A_481 = tpu.vector_load %arg5[%parallel_loop3A_478, %parallel_loop3A_479, %parallel_loop3A_480] {strides = array<i32>} : memref<2x64x64xf32, #tpu.memory_space<vmem>>, vector<16xf32>,
      tpu.vector_store %arg5[%parallel_loop3A_478, %parallel_loop3A_479, %parallel_loop3A_480], %parallel_loop3A_472 {strides = array<i32>} : memref<2x64x64xf32, #tpu.memory_space<vmem>>, vector<16xf32>,
      %parallel_loop3A_482 = arith.addf %parallel_loop3A_326, %gather3A_171 : vector<16xf32>
      %parallel_loop3A_483 = arith.constant 8 : i32
      %parallel_loop3A_484 = arith.muli %parallel_loop3A_281, %parallel_loop3A_483 : i32
      %parallel_loop3A_485 = arith.constant 3 : i32
      %parallel_loop3A_486 = arith.addi %parallel_loop3A_484, %parallel_loop3A_485 : i32
      %parallel_loop3A_487 = arith.constant 1 : i32
      %parallel_loop3A_488 = arith.index_cast %parallel_loop3A_487 : i32 to index
      %parallel_loop3A_489 = arith.index_cast %parallel_loop3A_486 : i32 to index
      %parallel_loop3A_490 = arith.constant 32 : index
      %parallel_loop3A_491 = tpu.vector_load %arg5[%parallel_loop3A_488, %parallel_loop3A_489, %parallel_loop3A_490] {strides = array<i32>} : memref<2x64x64xf32, #tpu.memory_space<vmem>>, vector<16xf32>,
      tpu.vector_store %arg5[%parallel_loop3A_488, %parallel_loop3A_489, %parallel_loop3A_490], %parallel_loop3A_482 {strides = array<i32>} : memref<2x64x64xf32, #tpu.memory_space<vmem>>, vector<16xf32>,
      %parallel_loop3A_492 = arith.addf %parallel_loop3A_341, %gather3A_171 : vector<16xf32>
      %parallel_loop3A_493 = arith.constant 8 : i32
      %parallel_loop3A_494 = arith.muli %parallel_loop3A_281, %parallel_loop3A_493 : i32
      %parallel_loop3A_495 = arith.constant 3 : i32
      %parallel_loop3A_496 = arith.addi %parallel_loop3A_494, %parallel_loop3A_495 : i32
      %parallel_loop3A_497 = arith.constant 1 : i32
      %parallel_loop3A_498 = arith.index_cast %parallel_loop3A_497 : i32 to index
      %parallel_loop3A_499 = arith.index_cast %parallel_loop3A_496 : i32 to index
      %parallel_loop3A_500 = arith.constant 48 : index
      %parallel_loop3A_501 = tpu.vector_load %arg5[%parallel_loop3A_498, %parallel_loop3A_499, %parallel_loop3A_500] {strides = array<i32>} : memref<2x64x64xf32, #tpu.memory_space<vmem>>, vector<16xf32>,
      tpu.vector_store %arg5[%parallel_loop3A_498, %parallel_loop3A_499, %parallel_loop3A_500], %parallel_loop3A_492 {strides = array<i32>} : memref<2x64x64xf32, #tpu.memory_space<vmem>>, vector<16xf32>,
      %parallel_loop3A_502 = arith.addf %parallel_loop3A_296, %gather3A_183 : vector<16xf32>
      %parallel_loop3A_503 = arith.constant 8 : i32
      %parallel_loop3A_504 = arith.muli %parallel_loop3A_281, %parallel_loop3A_503 : i32
      %parallel_loop3A_505 = arith.constant 4 : i32
      %parallel_loop3A_506 = arith.addi %parallel_loop3A_504, %parallel_loop3A_505 : i32
      %parallel_loop3A_507 = arith.constant 1 : i32
      %parallel_loop3A_508 = arith.index_cast %parallel_loop3A_507 : i32 to index
      %parallel_loop3A_509 = arith.index_cast %parallel_loop3A_506 : i32 to index
      %parallel_loop3A_510 = arith.constant 0 : index
      %parallel_loop3A_511 = tpu.vector_load %arg5[%parallel_loop3A_508, %parallel_loop3A_509, %parallel_loop3A_510] {strides = array<i32>} : memref<2x64x64xf32, #tpu.memory_space<vmem>>, vector<16xf32>,
      tpu.vector_store %arg5[%parallel_loop3A_508, %parallel_loop3A_509, %parallel_loop3A_510], %parallel_loop3A_502 {strides = array<i32>} : memref<2x64x64xf32, #tpu.memory_space<vmem>>, vector<16xf32>,
      %parallel_loop3A_512 = arith.addf %parallel_loop3A_311, %gather3A_183 : vector<16xf32>
      %parallel_loop3A_513 = arith.constant 8 : i32
      %parallel_loop3A_514 = arith.muli %parallel_loop3A_281, %parallel_loop3A_513 : i32
      %parallel_loop3A_515 = arith.constant 4 : i32
      %parallel_loop3A_516 = arith.addi %parallel_loop3A_514, %parallel_loop3A_515 : i32
      %parallel_loop3A_517 = arith.constant 1 : i32
      %parallel_loop3A_518 = arith.index_cast %parallel_loop3A_517 : i32 to index
      %parallel_loop3A_519 = arith.index_cast %parallel_loop3A_516 : i32 to index
      %parallel_loop3A_520 = arith.constant 16 : index
      %parallel_loop3A_521 = tpu.vector_load %arg5[%parallel_loop3A_518, %parallel_loop3A_519, %parallel_loop3A_520] {strides = array<i32>} : memref<2x64x64xf32, #tpu.memory_space<vmem>>, vector<16xf32>,
      tpu.vector_store %arg5[%parallel_loop3A_518, %parallel_loop3A_519, %parallel_loop3A_520], %parallel_loop3A_512 {strides = array<i32>} : memref<2x64x64xf32, #tpu.memory_space<vmem>>, vector<16xf32>,
      %parallel_loop3A_522 = arith.addf %parallel_loop3A_326, %gather3A_183 : vector<16xf32>
      %parallel_loop3A_523 = arith.constant 8 : i32
      %parallel_loop3A_524 = arith.muli %parallel_loop3A_281, %parallel_loop3A_523 : i32
      %parallel_loop3A_525 = arith.constant 4 : i32
      %parallel_loop3A_526 = arith.addi %parallel_loop3A_524, %parallel_loop3A_525 : i32
      %parallel_loop3A_527 = arith.constant 1 : i32
      %parallel_loop3A_528 = arith.index_cast %parallel_loop3A_527 : i32 to index
      %parallel_loop3A_529 = arith.index_cast %parallel_loop3A_526 : i32 to index
      %parallel_loop3A_530 = arith.constant 32 : index
      %parallel_loop3A_531 = tpu.vector_load %arg5[%parallel_loop3A_528, %parallel_loop3A_529, %parallel_loop3A_530] {strides = array<i32>} : memref<2x64x64xf32, #tpu.memory_space<vmem>>, vector<16xf32>,
      tpu.vector_store %arg5[%parallel_loop3A_528, %parallel_loop3A_529, %parallel_loop3A_530], %parallel_loop3A_522 {strides = array<i32>} : memref<2x64x64xf32, #tpu.memory_space<vmem>>, vector<16xf32>,
      %parallel_loop3A_532 = arith.addf %parallel_loop3A_341, %gather3A_183 : vector<16xf32>
      %parallel_loop3A_533 = arith.constant 8 : i32
      %parallel_loop3A_534 = arith.muli %parallel_loop3A_281, %parallel_loop3A_533 : i32
      %parallel_loop3A_535 = arith.constant 4 : i32
      %parallel_loop3A_536 = arith.addi %parallel_loop3A_534, %parallel_loop3A_535 : i32
      %parallel_loop3A_537 = arith.constant 1 : i32
      %parallel_loop3A_538 = arith.index_cast %parallel_loop3A_537 : i32 to index
      %parallel_loop3A_539 = arith.index_cast %parallel_loop3A_536 : i32 to index
      %parallel_loop3A_540 = arith.constant 48 : index
      %parallel_loop3A_541 = tpu.vector_load %arg5[%parallel_loop3A_538, %parallel_loop3A_539, %parallel_loop3A_540] {strides = array<i32>} : memref<2x64x64xf32, #tpu.memory_space<vmem>>, vector<16xf32>,
      tpu.vector_store %arg5[%parallel_loop3A_538, %parallel_loop3A_539, %parallel_loop3A_540], %parallel_loop3A_532 {strides = array<i32>} : memref<2x64x64xf32, #tpu.memory_space<vmem>>, vector<16xf32>,
      %parallel_loop3A_542 = arith.addf %parallel_loop3A_296, %gather3A_195 : vector<16xf32>
      %parallel_loop3A_543 = arith.constant 8 : i32
      %parallel_loop3A_544 = arith.muli %parallel_loop3A_281, %parallel_loop3A_543 : i32
      %parallel_loop3A_545 = arith.constant 5 : i32
      %parallel_loop3A_546 = arith.addi %parallel_loop3A_544, %parallel_loop3A_545 : i32
      %parallel_loop3A_547 = arith.constant 1 : i32
      %parallel_loop3A_548 = arith.index_cast %parallel_loop3A_547 : i32 to index
      %parallel_loop3A_549 = arith.index_cast %parallel_loop3A_546 : i32 to index
      %parallel_loop3A_550 = arith.constant 0 : index
      %parallel_loop3A_551 = tpu.vector_load %arg5[%parallel_loop3A_548, %parallel_loop3A_549, %parallel_loop3A_550] {strides = array<i32>} : memref<2x64x64xf32, #tpu.memory_space<vmem>>, vector<16xf32>,
      tpu.vector_store %arg5[%parallel_loop3A_548, %parallel_loop3A_549, %parallel_loop3A_550], %parallel_loop3A_542 {strides = array<i32>} : memref<2x64x64xf32, #tpu.memory_space<vmem>>, vector<16xf32>,
      %parallel_loop3A_552 = arith.addf %parallel_loop3A_311, %gather3A_195 : vector<16xf32>
      %parallel_loop3A_553 = arith.constant 8 : i32
      %parallel_loop3A_554 = arith.muli %parallel_loop3A_281, %parallel_loop3A_553 : i32
      %parallel_loop3A_555 = arith.constant 5 : i32
      %parallel_loop3A_556 = arith.addi %parallel_loop3A_554, %parallel_loop3A_555 : i32
      %parallel_loop3A_557 = arith.constant 1 : i32
      %parallel_loop3A_558 = arith.index_cast %parallel_loop3A_557 : i32 to index
      %parallel_loop3A_559 = arith.index_cast %parallel_loop3A_556 : i32 to index
      %parallel_loop3A_560 = arith.constant 16 : index
      %parallel_loop3A_561 = tpu.vector_load %arg5[%parallel_loop3A_558, %parallel_loop3A_559, %parallel_loop3A_560] {strides = array<i32>} : memref<2x64x64xf32, #tpu.memory_space<vmem>>, vector<16xf32>,
      tpu.vector_store %arg5[%parallel_loop3A_558, %parallel_loop3A_559, %parallel_loop3A_560], %parallel_loop3A_552 {strides = array<i32>} : memref<2x64x64xf32, #tpu.memory_space<vmem>>, vector<16xf32>,
      %parallel_loop3A_562 = arith.addf %parallel_loop3A_326, %gather3A_195 : vector<16xf32>
      %parallel_loop3A_563 = arith.constant 8 : i32
      %parallel_loop3A_564 = arith.muli %parallel_loop3A_281, %parallel_loop3A_563 : i32
      %parallel_loop3A_565 = arith.constant 5 : i32
      %parallel_loop3A_566 = arith.addi %parallel_loop3A_564, %parallel_loop3A_565 : i32
      %parallel_loop3A_567 = arith.constant 1 : i32
      %parallel_loop3A_568 = arith.index_cast %parallel_loop3A_567 : i32 to index
      %parallel_loop3A_569 = arith.index_cast %parallel_loop3A_566 : i32 to index
      %parallel_loop3A_570 = arith.constant 32 : index
      %parallel_loop3A_571 = tpu.vector_load %arg5[%parallel_loop3A_568, %parallel_loop3A_569, %parallel_loop3A_570] {strides = array<i32>} : memref<2x64x64xf32, #tpu.memory_space<vmem>>, vector<16xf32>,
      tpu.vector_store %arg5[%parallel_loop3A_568, %parallel_loop3A_569, %parallel_loop3A_570], %parallel_loop3A_562 {strides = array<i32>} : memref<2x64x64xf32, #tpu.memory_space<vmem>>, vector<16xf32>,
      %parallel_loop3A_572 = arith.addf %parallel_loop3A_341, %gather3A_195 : vector<16xf32>
      %parallel_loop3A_573 = arith.constant 8 : i32
      %parallel_loop3A_574 = arith.muli %parallel_loop3A_281, %parallel_loop3A_573 : i32
      %parallel_loop3A_575 = arith.constant 5 : i32
      %parallel_loop3A_576 = arith.addi %parallel_loop3A_574, %parallel_loop3A_575 : i32
      %parallel_loop3A_577 = arith.constant 1 : i32
      %parallel_loop3A_578 = arith.index_cast %parallel_loop3A_577 : i32 to index
      %parallel_loop3A_579 = arith.index_cast %parallel_loop3A_576 : i32 to index
      %parallel_loop3A_580 = arith.constant 48 : index
      %parallel_loop3A_581 = tpu.vector_load %arg5[%parallel_loop3A_578, %parallel_loop3A_579, %parallel_loop3A_580] {strides = array<i32>} : memref<2x64x64xf32, #tpu.memory_space<vmem>>, vector<16xf32>,
      tpu.vector_store %arg5[%parallel_loop3A_578, %parallel_loop3A_579, %parallel_loop3A_580], %parallel_loop3A_572 {strides = array<i32>} : memref<2x64x64xf32, #tpu.memory_space<vmem>>, vector<16xf32>,
      %parallel_loop3A_582 = arith.addf %parallel_loop3A_296, %gather3A_207 : vector<16xf32>
      %parallel_loop3A_583 = arith.constant 8 : i32
      %parallel_loop3A_584 = arith.muli %parallel_loop3A_281, %parallel_loop3A_583 : i32
      %parallel_loop3A_585 = arith.constant 6 : i32
      %parallel_loop3A_586 = arith.addi %parallel_loop3A_584, %parallel_loop3A_585 : i32
      %parallel_loop3A_587 = arith.constant 1 : i32
      %parallel_loop3A_588 = arith.index_cast %parallel_loop3A_587 : i32 to index
      %parallel_loop3A_589 = arith.index_cast %parallel_loop3A_586 : i32 to index
      %parallel_loop3A_590 = arith.constant 0 : index
      %parallel_loop3A_591 = tpu.vector_load %arg5[%parallel_loop3A_588, %parallel_loop3A_589, %parallel_loop3A_590] {strides = array<i32>} : memref<2x64x64xf32, #tpu.memory_space<vmem>>, vector<16xf32>,
      tpu.vector_store %arg5[%parallel_loop3A_588, %parallel_loop3A_589, %parallel_loop3A_590], %parallel_loop3A_582 {strides = array<i32>} : memref<2x64x64xf32, #tpu.memory_space<vmem>>, vector<16xf32>,
      %parallel_loop3A_592 = arith.addf %parallel_loop3A_311, %gather3A_207 : vector<16xf32>
      %parallel_loop3A_593 = arith.constant 8 : i32
      %parallel_loop3A_594 = arith.muli %parallel_loop3A_281, %parallel_loop3A_593 : i32
      %parallel_loop3A_595 = arith.constant 6 : i32
      %parallel_loop3A_596 = arith.addi %parallel_loop3A_594, %parallel_loop3A_595 : i32
      %parallel_loop3A_597 = arith.constant 1 : i32
      %parallel_loop3A_598 = arith.index_cast %parallel_loop3A_597 : i32 to index
      %parallel_loop3A_599 = arith.index_cast %parallel_loop3A_596 : i32 to index
      %parallel_loop3A_600 = arith.constant 16 : index
      %parallel_loop3A_601 = tpu.vector_load %arg5[%parallel_loop3A_598, %parallel_loop3A_599, %parallel_loop3A_600] {strides = array<i32>} : memref<2x64x64xf32, #tpu.memory_space<vmem>>, vector<16xf32>,
      tpu.vector_store %arg5[%parallel_loop3A_598, %parallel_loop3A_599, %parallel_loop3A_600], %parallel_loop3A_592 {strides = array<i32>} : memref<2x64x64xf32, #tpu.memory_space<vmem>>, vector<16xf32>,
      %parallel_loop3A_602 = arith.addf %parallel_loop3A_326, %gather3A_207 : vector<16xf32>
      %parallel_loop3A_603 = arith.constant 8 : i32
      %parallel_loop3A_604 = arith.muli %parallel_loop3A_281, %parallel_loop3A_603 : i32
      %parallel_loop3A_605 = arith.constant 6 : i32
      %parallel_loop3A_606 = arith.addi %parallel_loop3A_604, %parallel_loop3A_605 : i32
      %parallel_loop3A_607 = arith.constant 1 : i32
      %parallel_loop3A_608 = arith.index_cast %parallel_loop3A_607 : i32 to index
      %parallel_loop3A_609 = arith.index_cast %parallel_loop3A_606 : i32 to index
      %parallel_loop3A_610 = arith.constant 32 : index
      %parallel_loop3A_611 = tpu.vector_load %arg5[%parallel_loop3A_608, %parallel_loop3A_609, %parallel_loop3A_610] {strides = array<i32>} : memref<2x64x64xf32, #tpu.memory_space<vmem>>, vector<16xf32>,
      tpu.vector_store %arg5[%parallel_loop3A_608, %parallel_loop3A_609, %parallel_loop3A_610], %parallel_loop3A_602 {strides = array<i32>} : memref<2x64x64xf32, #tpu.memory_space<vmem>>, vector<16xf32>,
      %parallel_loop3A_612 = arith.addf %parallel_loop3A_341, %gather3A_207 : vector<16xf32>
      %parallel_loop3A_613 = arith.constant 8 : i32
      %parallel_loop3A_614 = arith.muli %parallel_loop3A_281, %parallel_loop3A_613 : i32
      %parallel_loop3A_615 = arith.constant 6 : i32
      %parallel_loop3A_616 = arith.addi %parallel_loop3A_614, %parallel_loop3A_615 : i32
      %parallel_loop3A_617 = arith.constant 1 : i32
      %parallel_loop3A_618 = arith.index_cast %parallel_loop3A_617 : i32 to index
      %parallel_loop3A_619 = arith.index_cast %parallel_loop3A_616 : i32 to index
      %parallel_loop3A_620 = arith.constant 48 : index
      %parallel_loop3A_621 = tpu.vector_load %arg5[%parallel_loop3A_618, %parallel_loop3A_619, %parallel_loop3A_620] {strides = array<i32>} : memref<2x64x64xf32, #tpu.memory_space<vmem>>, vector<16xf32>,
      tpu.vector_store %arg5[%parallel_loop3A_618, %parallel_loop3A_619, %parallel_loop3A_620], %parallel_loop3A_612 {strides = array<i32>} : memref<2x64x64xf32, #tpu.memory_space<vmem>>, vector<16xf32>,
      %parallel_loop3A_622 = arith.addf %parallel_loop3A_296, %gather3A_219 : vector<16xf32>
      %parallel_loop3A_623 = arith.constant 8 : i32
      %parallel_loop3A_624 = arith.muli %parallel_loop3A_281, %parallel_loop3A_623 : i32
      %parallel_loop3A_625 = arith.constant 7 : i32
      %parallel_loop3A_626 = arith.addi %parallel_loop3A_624, %parallel_loop3A_625 : i32
      %parallel_loop3A_627 = arith.constant 1 : i32
      %parallel_loop3A_628 = arith.index_cast %parallel_loop3A_627 : i32 to index
      %parallel_loop3A_629 = arith.index_cast %parallel_loop3A_626 : i32 to index
      %parallel_loop3A_630 = arith.constant 0 : index
      %parallel_loop3A_631 = tpu.vector_load %arg5[%parallel_loop3A_628, %parallel_loop3A_629, %parallel_loop3A_630] {strides = array<i32>} : memref<2x64x64xf32, #tpu.memory_space<vmem>>, vector<16xf32>,
      tpu.vector_store %arg5[%parallel_loop3A_628, %parallel_loop3A_629, %parallel_loop3A_630], %parallel_loop3A_622 {strides = array<i32>} : memref<2x64x64xf32, #tpu.memory_space<vmem>>, vector<16xf32>,
      %parallel_loop3A_632 = arith.addf %parallel_loop3A_311, %gather3A_219 : vector<16xf32>
      %parallel_loop3A_633 = arith.constant 8 : i32
      %parallel_loop3A_634 = arith.muli %parallel_loop3A_281, %parallel_loop3A_633 : i32
      %parallel_loop3A_635 = arith.constant 7 : i32
      %parallel_loop3A_636 = arith.addi %parallel_loop3A_634, %parallel_loop3A_635 : i32
      %parallel_loop3A_637 = arith.constant 1 : i32
      %parallel_loop3A_638 = arith.index_cast %parallel_loop3A_637 : i32 to index
      %parallel_loop3A_639 = arith.index_cast %parallel_loop3A_636 : i32 to index
      %parallel_loop3A_640 = arith.constant 16 : index
      %parallel_loop3A_641 = tpu.vector_load %arg5[%parallel_loop3A_638, %parallel_loop3A_639, %parallel_loop3A_640] {strides = array<i32>} : memref<2x64x64xf32, #tpu.memory_space<vmem>>, vector<16xf32>,
      tpu.vector_store %arg5[%parallel_loop3A_638, %parallel_loop3A_639, %parallel_loop3A_640], %parallel_loop3A_632 {strides = array<i32>} : memref<2x64x64xf32, #tpu.memory_space<vmem>>, vector<16xf32>,
      %parallel_loop3A_642 = arith.addf %parallel_loop3A_326, %gather3A_219 : vector<16xf32>
      %parallel_loop3A_643 = arith.constant 8 : i32
      %parallel_loop3A_644 = arith.muli %parallel_loop3A_281, %parallel_loop3A_643 : i32
      %parallel_loop3A_645 = arith.constant 7 : i32
      %parallel_loop3A_646 = arith.addi %parallel_loop3A_644, %parallel_loop3A_645 : i32
      %parallel_loop3A_647 = arith.constant 1 : i32
      %parallel_loop3A_648 = arith.index_cast %parallel_loop3A_647 : i32 to index
      %parallel_loop3A_649 = arith.index_cast %parallel_loop3A_646 : i32 to index
      %parallel_loop3A_650 = arith.constant 32 : index
      %parallel_loop3A_651 = tpu.vector_load %arg5[%parallel_loop3A_648, %parallel_loop3A_649, %parallel_loop3A_650] {strides = array<i32>} : memref<2x64x64xf32, #tpu.memory_space<vmem>>, vector<16xf32>,
      tpu.vector_store %arg5[%parallel_loop3A_648, %parallel_loop3A_649, %parallel_loop3A_650], %parallel_loop3A_642 {strides = array<i32>} : memref<2x64x64xf32, #tpu.memory_space<vmem>>, vector<16xf32>,
      %parallel_loop3A_652 = arith.addf %parallel_loop3A_341, %gather3A_219 : vector<16xf32>
      %parallel_loop3A_653 = arith.constant 8 : i32
      %parallel_loop3A_654 = arith.muli %parallel_loop3A_281, %parallel_loop3A_653 : i32
      %parallel_loop3A_655 = arith.constant 7 : i32
      %parallel_loop3A_656 = arith.addi %parallel_loop3A_654, %parallel_loop3A_655 : i32
      %parallel_loop3A_657 = arith.constant 1 : i32
      %parallel_loop3A_658 = arith.index_cast %parallel_loop3A_657 : i32 to index
      %parallel_loop3A_659 = arith.index_cast %parallel_loop3A_656 : i32 to index
      %parallel_loop3A_660 = arith.constant 48 : index
      %parallel_loop3A_661 = tpu.vector_load %arg5[%parallel_loop3A_658, %parallel_loop3A_659, %parallel_loop3A_660] {strides = array<i32>} : memref<2x64x64xf32, #tpu.memory_space<vmem>>, vector<16xf32>,
      tpu.vector_store %arg5[%parallel_loop3A_658, %parallel_loop3A_659, %parallel_loop3A_660], %parallel_loop3A_652 {strides = array<i32>} : memref<2x64x64xf32, #tpu.memory_space<vmem>>, vector<16xf32>,
    } {sc.loop_unroll_factor = 2 : i64, sc.parallel_access}
    %mul3A_224 = arith.constant 2 : i32
    %mul3A_225 = arith.muli %mul3A_224, %arg1 : i32
    %add3A_226 = arith.constant 1 : i32
    %add3A_227 = arith.addi %mul3A_225, %add3A_226 : i32
    %dma_start3A_228 = arith.constant 1 : i32
    %dma_start3A_229 = arith.constant 0 : i32
    %dma_start3A_230 = arith.constant 0 : i32
    %dma_start3A_231 = arith.constant 0 : i32
    %dma_start3A_232 = tpu.memref_slice %arg5[%dma_start3A_228, %dma_start3A_230, %dma_start3A_231] : memref<2x64x64xf32, #tpu.memory_space<vmem>> -> memref<1x64x64xf32, #tpu.memory_space<vmem>>
    %dma_start3A_233 = tpu.memref_squeeze %dma_start3A_232 : memref<1x64x64xf32, #tpu.memory_space<vmem>> -> memref<64x64xf32, #tpu.memory_space<vmem>>
    %dma_start3A_234 = arith.constant 0 : i32
    %dma_start3A_235 = arith.constant 0 : i32
    %dma_start3A_236 = tpu.memref_slice %arg3[%dma_start3A_229, %add3A_227, %dma_start3A_234, %dma_start3A_235] : memref<1x32x64x64xf32, #tpu.memory_space<hbm>> -> memref<1x1x64x64xf32, #tpu.memory_space<hbm>>
    %dma_start3A_237 = tpu.memref_squeeze %dma_start3A_236 : memref<1x1x64x64xf32, #tpu.memory_space<hbm>> -> memref<64x64xf32, #tpu.memory_space<hbm>>
    %dma_start3A_238 = arith.constant 0 : i32
    %dma_start3A_239 = arith.constant 0 : i32
    %dma_start3A_240 = tpu.memref_slice %arg3[%dma_start3A_229, %add3A_227, %dma_start3A_238, %dma_start3A_239] : memref<1x32x64x64xf32, #tpu.memory_space<hbm>> -> memref<1x1x64x64xf32, #tpu.memory_space<hbm>>
    %dma_start3A_241 = tpu.memref_squeeze %dma_start3A_240 : memref<1x1x64x64xf32, #tpu.memory_space<hbm>> -> memref<64x64xf32, #tpu.memory_space<hbm>>
    %dma_start3A_242 = arith.constant 0 : i32
    %dma_start3A_243 = arith.constant 0 : i32
    %dma_start3A_244 = tpu.memref_slice %arg5[%dma_start3A_228, %dma_start3A_242, %dma_start3A_243] : memref<2x64x64xf32, #tpu.memory_space<vmem>> -> memref<1x64x64xf32, #tpu.memory_space<vmem>>
    %dma_start3A_245 = tpu.memref_squeeze %dma_start3A_244 : memref<1x64x64xf32, #tpu.memory_space<vmem>> -> memref<64x64xf32, #tpu.memory_space<vmem>>
    tpu.enqueue_dma source(%dma_start3A_245 : memref<64x64xf32, #tpu.memory_space<vmem>>) target(%dma_start3A_241 : memref<64x64xf32, #tpu.memory_space<hbm>>) target_semaphore(%arg6 : memref<!tpu.dma_semaphore, #tpu.memory_space<semaphore_mem>>)
    %dma_wait3A = arith.constant 0 : i32
    %dma_wait3A_246 = arith.constant 0 : i32
    %dma_wait3A_247 = arith.constant 0 : i32
    %dma_wait3A_248 = arith.constant 0 : i32
    %dma_wait3A_249 = tpu.memref_slice %arg5[%dma_wait3A, %dma_wait3A_247, %dma_wait3A_248] : memref<2x64x64xf32, #tpu.memory_space<vmem>> -> memref<1x64x64xf32, #tpu.memory_space<vmem>>
    %dma_wait3A_250 = tpu.memref_squeeze %dma_wait3A_249 : memref<1x64x64xf32, #tpu.memory_space<vmem>> -> memref<64x64xf32, #tpu.memory_space<vmem>>
    %dma_wait3A_251 = arith.constant 0 : i32
    %dma_wait3A_252 = arith.constant 0 : i32
    %dma_wait3A_253 = tpu.memref_slice %arg3[%dma_wait3A_246, %mul3A_100, %dma_wait3A_251, %dma_wait3A_252] : memref<1x32x64x64xf32, #tpu.memory_space<hbm>> -> memref<1x1x64x64xf32, #tpu.memory_space<hbm>>
    %dma_wait3A_254 = tpu.memref_squeeze %dma_wait3A_253 : memref<1x1x64x64xf32, #tpu.memory_space<hbm>> -> memref<64x64xf32, #tpu.memory_space<hbm>>
    %dma_wait3A_255 = arith.constant 0 : i32
    %dma_wait3A_256 = arith.constant 0 : i32
    %dma_wait3A_257 = tpu.memref_slice %arg3[%dma_wait3A_246, %mul3A_100, %dma_wait3A_255, %dma_wait3A_256] : memref<1x32x64x64xf32, #tpu.memory_space<hbm>> -> memref<1x1x64x64xf32, #tpu.memory_space<hbm>>
    %dma_wait3A_258 = tpu.memref_squeeze %dma_wait3A_257 : memref<1x1x64x64xf32, #tpu.memory_space<hbm>> -> memref<64x64xf32, #tpu.memory_space<hbm>>
    %dma_wait3A_259 = arith.constant 0 : i32
    %dma_wait3A_260 = arith.constant 0 : i32
    %dma_wait3A_261 = tpu.memref_slice %arg5[%dma_wait3A, %dma_wait3A_259, %dma_wait3A_260] : memref<2x64x64xf32, #tpu.memory_space<vmem>> -> memref<1x64x64xf32, #tpu.memory_space<vmem>>
    %dma_wait3A_262 = tpu.memref_squeeze %dma_wait3A_261 : memref<1x64x64xf32, #tpu.memory_space<vmem>> -> memref<64x64xf32, #tpu.memory_space<vmem>>
    tpu.wait_dma2 semaphore(%arg6 : memref<!tpu.dma_semaphore, #tpu.memory_space<semaphore_mem>>) src(%dma_wait3A_262 : memref<64x64xf32, #tpu.memory_space<vmem>>) dst(%dma_wait3A_258 : memref<64x64xf32, #tpu.memory_space<hbm>>)
    %dma_wait3A_263 = arith.constant 1 : i32
    %dma_wait3A_264 = arith.constant 0 : i32
    %dma_wait3A_265 = arith.constant 0 : i32
    %dma_wait3A_266 = arith.constant 0 : i32
    %dma_wait3A_267 = tpu.memref_slice %arg5[%dma_wait3A_263, %dma_wait3A_265, %dma_wait3A_266] : memref<2x64x64xf32, #tpu.memory_space<vmem>> -> memref<1x64x64xf32, #tpu.memory_space<vmem>>
    %dma_wait3A_268 = tpu.memref_squeeze %dma_wait3A_267 : memref<1x64x64xf32, #tpu.memory_space<vmem>> -> memref<64x64xf32, #tpu.memory_space<vmem>>
    %dma_wait3A_269 = arith.constant 0 : i32
    %dma_wait3A_270 = arith.constant 0 : i32
    %dma_wait3A_271 = tpu.memref_slice %arg3[%dma_wait3A_264, %add3A_227, %dma_wait3A_269, %dma_wait3A_270] : memref<1x32x64x64xf32, #tpu.memory_space<hbm>> -> memref<1x1x64x64xf32, #tpu.memory_space<hbm>>
    %dma_wait3A_272 = tpu.memref_squeeze %dma_wait3A_271 : memref<1x1x64x64xf32, #tpu.memory_space<hbm>> -> memref<64x64xf32, #tpu.memory_space<hbm>>
    %dma_wait3A_273 = arith.constant 0 : i32
    %dma_wait3A_274 = arith.constant 0 : i32
    %dma_wait3A_275 = tpu.memref_slice %arg3[%dma_wait3A_264, %add3A_227, %dma_wait3A_273, %dma_wait3A_274] : memref<1x32x64x64xf32, #tpu.memory_space<hbm>> -> memref<1x1x64x64xf32, #tpu.memory_space<hbm>>
    %dma_wait3A_276 = tpu.memref_squeeze %dma_wait3A_275 : memref<1x1x64x64xf32, #tpu.memory_space<hbm>> -> memref<64x64xf32, #tpu.memory_space<hbm>>
    %dma_wait3A_277 = arith.constant 0 : i32
    %dma_wait3A_278 = arith.constant 0 : i32
    %dma_wait3A_279 = tpu.memref_slice %arg5[%dma_wait3A_263, %dma_wait3A_277, %dma_wait3A_278] : memref<2x64x64xf32, #tpu.memory_space<vmem>> -> memref<1x64x64xf32, #tpu.memory_space<vmem>>
    %dma_wait3A_280 = tpu.memref_squeeze %dma_wait3A_279 : memref<1x64x64xf32, #tpu.memory_space<vmem>> -> memref<64x64xf32, #tpu.memory_space<vmem>>
    tpu.wait_dma2 semaphore(%arg6 : memref<!tpu.dma_semaphore, #tpu.memory_space<semaphore_mem>>) src(%dma_wait3A_280 : memref<64x64xf32, #tpu.memory_space<vmem>>) dst(%dma_wait3A_276 : memref<64x64xf32, #tpu.memory_space<hbm>>)
    return
  }
}

</mosaic_0001>

<sc_bundles>
// kernel: _bias_planes.3.cloned.1.call-start
scs
__scs_entry_jumppad:
0x0: {  	(pc) =	sbr.rel $0x88, $3  }
0x1: {  	(tag) =	ssettag $0x0;
	lr =	simm.s32 $0x1  }
0x2: {  	[smem:$0x3F9F] =	sst lr;
	_ =	strace $0xD0000000  }
0x3: {  	_ = 	snop  }
0x4: {  	_ = 	snop  }
0x5: {  	_ = 	snop  }
0x6: {  	_ = 	snop  }
0x7: {  	_ = 	snop  }
__scs_overlays_trampoline_lowered:
0x8: {  	[smem:$0x3FAE] =	sst s0  }
0x9: {  	[smem:$0x3FAF] =	sst s1  }
0xa: {  	[smem:$0x3FB0] =	sst s2  }
0xb: {  	[smem:$0x3FB1] =	sst s3  }
0xc: {  	[smem:$0x3FB2] =	sst s4  }
0xd: {  	[smem:$0x3FB3] =	sst s5  }
0xe: {  	[smem:$0x3FB4] =	sst s6  }
0xf: {  	[smem:$0x3FB5] =	sst s7  }
0x10: {  	[smem:$0x3FB6] =	sst s8  }
0x11: {  	[smem:$0x3FB7] =	sst s9;
	s0 =	simm.s32 @!p0 $0x0  }
0x12: {  	s1 =	sld [smem:$0x3F9D];
	s0 =	simm.s32 @p0 $0x1  }
0x13: {  	[smem:$0x3FB8] =	sst s0;
	s0 =	simm.s32 @!p1 $0x0  }
0x14: {  	s2 =	sld [smem:$0x3F9C];
	s0 =	simm.s32 @p1 $0x1  }
0x15: {  	[smem:$0x3FB9] =	sst s0;
	s0 =	simm.s32 @!p2 $0x0  }
0x16: {  	s3 =	sld [smem:$0x3FDB];
	s0 =	simm.s32 @p2 $0x1  }
0x17: {  	s4 =	simm.s32 $0x1BF5;
	[smem:$0x3FBB] =	sst s0  }
0x18: {  	s0 =	sld [smem:$0x3F9E];
	_ =	swait.ge [sflag:s4], $0x0  }
0x19: {  	s7 =	sld [smem:$0x3F9F]  }
0x1a: {  	s8 =	sadd.s32 $0xFFFFE003, lr  }
0x1b: {  	s9 =	sadd.s32 $0xFFFFFEF7, lr;
	s5 =	simm.s32 $0xFFFFFFFF;
	p2 =	slt.u32 s8, $0xFFFFF086  }
0x1c: {  	p1 =	slt.u32 s9, $0xF7A;
	s5 =	simm.s32 @!p2 $0x0  }
0x1d: {  	s5 =	simm.s32 @p1 $0x1;
	p0 =	seq.s32 s7, s2  }
0x1e: {  	s7 =	smul.u32 @!p0 $0xF7A, s2;
	p2 =	seq.s32 @!p0 s5, $0x0  }
0x1f: {  	s9 =	smul.u32 $0xF7A, s1;
	s8 =	simm.s32 @!p0 $0x1BF5;
	p2 =	por !p2, p0  }
0x20: {  	[sflag:s8] =	ssyncset.s32 @!p0 $0xFFFFF086;
	s6 =	sadd.s32 @!p0 s3, s7;
	s7 =	simm.s32 @!p0 $0x108  }
0x21: {  	s3 =	sadd.s32 s3, s9;
	s6 =	sadd.s32 @!p0 $0x88, s6;
	s7 =	simm.s32 @p2 $0x1082  }
0x22: {  	[simem:s7], [sflag:s8] =	dma.local @!p0 [hbm:s6], $0xF7A  }
0x23: {  	s9 =	sor.u32 $0xD0000000, s2;
	s6 =	simm.s32 $0x108;
	_ =	swait.ge @!p0 [sflag:s8], $0x0  }
0x24: {  	s3 =	sadd.s32 $0x88, s3;
	s6 =	simm.s32 @!p1 $0x1082;
	[sflag:s4] =	ssyncset.s32 $0xFFFFF086  }
0x25: {  	[simem:s6], [sflag:s4] =	dma.local [hbm:s3], $0xF7A  }
0x26: {  	[smem:$0x3F9F] =	sst s1;
	(tag) =	ssettag s2;
	_ =	strace s9  }
0x27: {  	s1 =	sld [smem:$0x3FAF]  }
0x28: {  	s2 =	sld [smem:$0x3FB0]  }
0x29: {  	s4 =	sld [smem:$0x3FB2]  }
0x2a: {  	p0 =	seq.s32 s5, $0x0;
	s5 =	sld [smem:$0x3FB3]  }
0x2b: {  	s6 =	sld [smem:$0x3FB4]  }
0x2c: {  	s7 =	sld [smem:$0x3FB5]  }
0x2d: {  	s3 =	simm.s32 $0x108;
	s8 =	sld [smem:$0x3FB6]  }
0x2e: {  	s3 =	simm.s32 @!p0 $0x1082;
	s9 =	sld [smem:$0x3FB7]  }
0x2f: {  	lr =	sadd.s32 s0, s3;
	s0 =	sld [smem:$0x3FAE]  }
0x30: {  	s3 =	sld [smem:$0x3FB1]  }
0x31: {  	[smem:$0x3FBA] =	sst s10  }
0x32: {  	s10 =	sld [smem:$0x3FB8];
	_ =	sdelay $0x3  }
0x33: {  	p0 =	seq.s32 s10, $0x1;
	s10 =	sld [smem:$0x3FBA];
	_ =	sdelay $0x3  }
0x34: {  	[smem:$0x3FBA] =	sst s10  }
0x35: {  	s10 =	sld [smem:$0x3FB9];
	_ =	sdelay $0x3  }
0x36: {  	p1 =	seq.s32 s10, $0x1;
	s10 =	sld [smem:$0x3FBA];
	_ =	sdelay $0x3  }
0x37: {  	[smem:$0x3FBA] =	sst s10  }
0x38: {  	s10 =	sld [smem:$0x3FBB]  }
0x39: {  	_ = 	snop;
	(pc) =	sbr.ind lr, $3  }
0x3a: {  	_ = 	snop  }
0x3b: {  	_ = 	snop  }
0x3c: {  	p2 =	seq.s32 s10, $0x1;
	s10 =	sld [smem:$0x3FBA]  }
0x3d: {  	_ =	shalt  }
0x3e: {  	_ =	shalt  }
0x3f: {  	_ =	shalt  }
0x40: {  	_ =	shalt  }
0x41: {  	_ =	shalt  }
0x42: {  	_ =	shalt  }
0x43: {  	_ =	shalt  }
0x44: {  	_ =	shalt  }
0x45: {  	_ =	shalt  }
0x46: {  	_ =	shalt  }
0x47: {  	_ =	shalt  }
0x48: {  	_ =	shalt  }
0x49: {  	_ =	shalt  }
0x4a: {  	_ =	shalt  }
0x4b: {  	_ =	shalt  }
0x4c: {  	_ =	shalt  }
0x4d: {  	_ =	shalt  }
0x4e: {  	_ =	shalt  }
0x4f: {  	_ =	shalt  }
0x50: {  	_ =	shalt  }
0x51: {  	_ =	shalt  }
0x52: {  	_ =	shalt  }
0x53: {  	_ =	shalt  }
0x54: {  	_ =	shalt  }
0x55: {  	_ =	shalt  }
0x56: {  	_ =	shalt  }
0x57: {  	_ =	shalt  }
0x58: {  	_ =	shalt  }
0x59: {  	_ =	shalt  }
0x5a: {  	_ =	shalt  }
0x5b: {  	_ =	shalt  }
0x5c: {  	_ =	shalt  }
0x5d: {  	_ =	shalt  }
0x5e: {  	_ =	shalt  }
0x5f: {  	_ =	shalt  }
0x60: {  	_ =	shalt  }
0x61: {  	_ =	shalt  }
0x62: {  	_ =	shalt  }
0x63: {  	_ =	shalt  }
0x64: {  	_ =	shalt  }
0x65: {  	_ =	shalt  }
0x66: {  	_ =	shalt  }
0x67: {  	_ =	shalt  }
0x68: {  	_ =	shalt  }
0x69: {  	_ =	shalt  }
0x6a: {  	_ =	shalt  }
0x6b: {  	_ =	shalt  }
0x6c: {  	_ =	shalt  }
0x6d: {  	_ =	shalt  }
0x6e: {  	_ =	shalt  }
0x6f: {  	_ =	shalt  }
0x70: {  	_ =	shalt  }
0x71: {  	_ =	shalt  }
0x72: {  	_ =	shalt  }
0x73: {  	_ =	shalt  }
0x74: {  	_ =	shalt  }
0x75: {  	_ =	shalt  }
0x76: {  	_ =	shalt  }
0x77: {  	_ =	shalt  }
0x78: {  	_ =	shalt  }
0x79: {  	_ =	shalt  }
0x7a: {  	_ =	shalt  }
0x7b: {  	_ =	shalt  }
0x7c: {  	_ =	shalt  }
0x7d: {  	_ =	shalt  }
0x7e: {  	_ =	shalt  }
0x7f: {  	_ =	shalt  }
0x80: {  	_ =	shalt  }
0x81: {  	_ =	shalt  }
0x82: {  	_ =	shalt  }
0x83: {  	_ =	shalt  }
0x84: {  	_ =	shalt  }
0x85: {  	_ =	shalt  }
0x86: {  	_ =	shalt  }
0x87: {  	_ =	shalt  }
.Lfunc_end0:
.L_simem_size_0:
called_computation_lowered:
.L_overlay_start_0:
0x88: {  	s0 =	sld [smem:$0x3FD9]  }
0x89: {  	s1 =	sld [smem:$0x3FFE];
	_ =	sdelay $0x3  }
0x8a: {  	s0 =	sadd.s32 s1, s0  }
0x8b: {  	[smem:$0x3FC6] =	sst s0  }
0x8c: {  	_ = 	snop  }
0x8d: {  	s0 =	sld [smem:$0x3FD0];
	(tm) =	ssettm $0x1  }
0x8e: {  	s16 =	sld [smem:$0x3FFB];
	_ =	sdelay $0x3  }
0x8f: {  	_ =	strace s16  }
0x90: {  	s1 =	sld [smem:$0x3FFC];
	_ =	sdelay $0x3  }
0x91: {  	_ =	strace s1  }
0x92: {  	s1 =	sld [smem:$0x3FFD];
	_ =	sdelay $0x3  }
0x93: {  	_ =	strace s1  }
0x94: {  	_ =	strace $0x8FFFFFFF  }
0x95: {  	s17 =	sld [smem:$0x3FDB];
	_ =	sdelay $0x1  }
0x96: {  	s2 =	simm.s32 $_scs_section_size  }
0x97: {  	s3 =	simm.s32 $_size__tile_overlayer_lowered;
	s4 =	simm.s32 $_tile_overlayer_lowered  }
0x98: {  	s20 =	simm.s32 $0x1BFF;
	s19 =	sshll.u32 s4, $0x1;
	s1 =	sadd.s32 s2, s17  }
0x99: {  	s5 =	simm.s32 $0x0;
	s18 =	sshll.u32 s3, $0x1;
	s3 =	sadd.s32 s19, s1  }
0x9a: {  	[timem:s5], [sflag:s20] =	dma.local [hbm:s3], s18  }
0x9b: {  	_ =	swait.ge [sflag:s20], s18  }
0x9c: {  	s2 =	ssub.s32 $0x0, s18;
	[sflag:s20] =	ssyncset.done $0x0  }
0x9d: {  	[sflag:s20] =	ssyncadd.s32 s2;
	_ =	sdelay $0x1  }
0x9e: {  	s21 =	simm.s32 $0x1B8B  }
0x9f: {  	_ =	swait.ge [sflag:s21], $0x1  }
0xa0: {  	[sflag:s21] =	ssyncset.done $0x0  }
0xa1: {  	s23 =	simm.s32 $0x1B8E;
	s22 =	sld [smem:$0x3FFE];
	[sflag:s21] =	ssyncadd.s32 $0xFFFFFFFF  }
0xa2: {  	s24 =	simm.s32 $execute0_lowered;
	[smem:$0x3FD2] =	sst s23  }
0xa3: {  	s3 =	sshll.u32 s24, $0x1;
	_ =	strace $0x80000046;
	[dreg:$0x1] =	wrdreg $0xFFFFFFFF  }
0xa4: {  	s25 =	simm.s32 $_size_execute0_lowered;
	s1 =	sadd.s32 s1, s3;
	[dreg:$0x0] =	wrdreg $0x0  }
0xa5: {  	s3 =	sshll.u32 s25, $0x1;
	[dreg:$0x2] =	wrdreg s1  }
0xa6: {  	[dreg:$0x3] =	wrdreg s3  }
0xa7: {  	[dreg:$0x4] =	wrdreg $0xC0  }
0xa8: {  	_ =	task [dreg:s5], $0x5FFFF  }
0xa9: {  	[dreg:$0x1] =	wrdreg $0xFFFFFFFF  }
0xaa: {  	[dreg:$0x0] =	wrdreg $0x60  }
0xab: {  	[dreg:$0x2] =	wrdreg s22  }
0xac: {  	[dreg:$0x3] =	wrdreg s0  }
0xad: {  	[dreg:$0x4] =	wrdreg $0x9  }
0xae: {  	_ =	task.clear_ibuf [dreg:s5], $0x5FFFF;
	_ =	strace $0x90000046  }
0xaf: {  	s26 =	simm.s32 $0x9;
	_ =	strace $0x80000048  }
0xb0: {  	_ =	swait.ge [sflag:s26], $0x1  }
0xb1: {  	[sflag:s26] =	ssyncadd.s32 $0xFFFFFFFF  }
0xb2: {  	_ =	strace $0x90000048  }
0xb3: {  	_ =	sfence  }
0xb4: {  	s28 =	sld [smem:$0x0];
	_ =	sdelay $0x1  }
0xb5: {  	s29 =	srdreg.scid  }
0xb6: {  	s30 =	sshll.u32 s29, $0xD;
	s31 =	sshrl.u32 s29, $0x2  }
0xb7: {  	s2 =	sand.u32 $0x4000, s30;
	s1 =	sand.u32 $0x1, s29;
	s0 =	sadd.s32 s31, s28  }
0xb8: {  	s1 =	sor.u32 s2, s1;
	s0 =	sshll.u32 s0, $0x11  }
0xb9: {  	s0 =	sor.u32 s0, s1  }
0xba: {  	s0 =	sadd.s32 $0x8F2B, s0  }
0xbb: {  	[sflag:s0] =	ssyncadd.remote.s32 $0x1  }
0xbc: {  	_ =	sfence.sel $0xFFFF  }
0xbd: {  	[dreg:$0x0] =	wrdreg $0xFFFFFFFF;
	(pc) =	sbr.abs _section_cstart, $3  }
0xbe: {  	[dreg:$0x1] =	wrdreg $0xFFFFFFFF  }
0xbf: {  	_ =	task.clear_ibuf [dreg:s5], $0x2FFFF;
	_ =	strace $0x9FFFFFFF  }
0xc0: {  	(tm) =	ssettm $0x7FFFFFFF  }
0xc1: {  	_ =	shalt  }
tec
execute0_lowered:
.L_overlay_start_1:
0x0: {  	(tag) =	ssettag $0x1  }
0x1: {  	s4 =	rddreg [dreg:$0x0]  }
0x2: {  	s2 =	rddreg [dreg:$0x1];
	v0 =	vlaneseq.u32  }
0x3: {  	s0 =	rddreg [dreg:$0x2];
	s3 =	simm.s32 $0x0;
	v1 =	vand.u32 $0x7, v0  }
0x4: {  	s1 =	stileid.u32;
	s30 =	simm.s32 $0x1;
	[smem:$0x7FF] =	sst s3;
	v4 =	vmul.u32 $0xFFFFFF80, v1  }
0x5: {  	s5 =	sadd.s32 $0x400, s4;
	s6 =	sshll.u32 s1, $0x1;
	v0 =	vshrl.u32 v0, $0x3;
	_ =	strace $0x80000047  }
0x6: {  	v0 =	vmul.u32 $0xFFFFFF80, v0;
	[tilespmem:s3], [sflag:$0x1] =	stream.linear.gather [hbm4b:s5+s3], $0x780, $0x38;
	v1 =	vadd.s32 $0x380, v4;
	[tilespmem:$0x5000] =	vst v63  }
0x7: {  	s7 =	simm.s32 $0x7;
	s29 =	sadd.s32 $0x500, s4;
	s4 =	simm.s32 $0x800;
	v2 =	vadd.s32 $0x400, v4;
	v5 =	vadd.s32 $0x500, v4;
	v3 =	vor.u32 s6, v1  }
0x8: {  	v6 =	vadd.s32 $0x700, v4;
	[tilespmem:s4], [sflag:$0x1] =	stream.linear.gather [hbm4b:s29+s3], $0x780, $0x38;
	v2 =	vor.u32 s6, v2;
	v1 =	vadd.s32 $0x480, v4;
	[tilespmem:$0x5000] =	vst v63  }
0x9: {  	v8 =	vor.u32 s6, v5;
	v5 =	vmov s7;
	v10 =	vor.u32 s6, v6;
	_ =	swait.ge [sflag:s30], $0xF00  }
0xa: {  	v7 =	vor.u32 s6, v1;
	v1 =	vadd.s32 $0xFFFFFD00, v0;
	v9 =	vshll.u32 v5, $0x7;
	[sflag:s30] =	ssyncset.done $0x0  }
0xb: {  	v5 =	vmov s6;
	v6 =	vadd.s32 v1, v9;
	[sflag:s30] =	ssyncadd.s32 $0xFFFFF100  }
0xc: {  	v12 =	vor.u32 v5, v6;
	v14 =	vld.idx.msk [tilespmem:v3+s4+$0x0], $0xffff  }
0xd: {  	v11 =	vadd.s32 $0x580, v4;
	v15 =	vld.idx.msk [tilespmem:v2+s4+$0x0], $0xffff  }
0xe: {  	v11 =	vor.u32 s6, v11;
	v3 =	vadd.s32 $0x600, v4;
	v17 =	vld.idx.msk [tilespmem:v8+s4+$0x0], $0xffff  }
0xf: {  	v2 =	vadd.s32 $0x680, v4;
	v18 =	vld.idx.msk [tilespmem:v10+s4+$0x0], $0xffff;
	v13 =	vor.u32 s6, v3  }
0x10: {  	v16 =	vld.idx.msk [tilespmem:v7+s4+$0x0], $0xffff;
	v21 =	vor.u32 s6, v2;
	v2 =	vadd.s32 $0xFFFFFF00, v0;
	v7 =	vadd.s32 v0, v9  }
0x11: {  	v3 =	vadd.s32 $0xFFFFFE00, v0;
	v10 =	vor.u32 v5, v7;
	v8 =	vadd.s32 v2, v9;
	v22 =	vld.idx.msk [tilespmem:v12+s3+$0x0], $0xffff  }
0x12: {  	v9 =	vadd.s32 v3, v9;
	v12 =	vor.u32 v5, v8  }
0x13: {  	v19 =	vld.idx.msk [tilespmem:v11+s4+$0x0], $0xffff;
	v11 =	vor.u32 v5, v9  }
0x14: {  	v20 =	vld.idx.msk [tilespmem:v13+s4+$0x0], $0xffff  }
0x15: {  	v21 =	vld.idx.msk [tilespmem:v21+s4+$0x0], $0xffff  }
0x16: {  	v23 =	vld.idx.msk [tilespmem:v10+s3+$0x0], $0xffff;
	v10 =	vadd.f32 v22, v18  }
0x17: {  	s6 =	simm.s32 $0x1400;
	v24 =	vld.idx.msk [tilespmem:v12+s3+$0x0], $0xffff;
	v12 =	vadd.f32 v22, v14  }
0x18: {  	v25 =	vld.idx.msk [tilespmem:v11+s3+$0x0], $0xffff;
	v11 =	vadd.f32 v22, v15;
	[tilespmem:s6+$0xFFFFFFB0] =	vst v10  }
0x19: {  	v10 =	vadd.f32 v22, v16;
	[tilespmem:s6+$0xFFFFFC30] =	vst v12  }
0x1a: {  	v12 =	vadd.f32 v22, v17;
	[tilespmem:s6+$0xFFFFFCB0] =	vst v11  }
0x1b: {  	v11 =	vadd.f32 v22, v19;
	[tilespmem:s6+$0xFFFFFD30] =	vst v10  }
0x1c: {  	v32 =	vadd.f32 v22, v20;
	[tilespmem:s6+$0xFFFFFDB0] =	vst v12  }
0x1d: {  	v22 =	vadd.f32 v22, v21;
	[tilespmem:s6+$0xFFFFFE30] =	vst v11  }
0x1e: {  	v10 =	vadd.f32 v23, v14;
	[tilespmem:s6+$0xFFFFFEB0] =	vst v32  }
0x1f: {  	v11 =	vadd.f32 v23, v15;
	[tilespmem:s6+$0xFFFFFF30] =	vst v22  }
0x20: {  	v13 =	vadd.f32 v23, v19;
	[tilespmem:s6+$0xFFFFFC00] =	vst v10  }
0x21: {  	v29 =	vadd.f32 v23, v20;
	[tilespmem:s6+$0xFFFFFC80] =	vst v11  }
0x22: {  	v12 =	vadd.f32 v24, v14;
	[tilespmem:s6+$0xFFFFFE00] =	vst v13  }
0x23: {  	v27 =	vadd.f32 v25, v19;
	[tilespmem:s6+$0xFFFFFE80] =	vst v29  }
0x24: {  	v31 =	vadd.f32 v24, v20;
	[tilespmem:s6+$0xFFFFFC10] =	vst v12  }
0x25: {  	v11 =	vadd.f32 v23, v16;
	[tilespmem:s6+$0xFFFFFE20] =	vst v27  }
0x26: {  	v10 =	vadd.f32 v25, v14;
	[tilespmem:s6+$0xFFFFFE90] =	vst v31  }
0x27: {  	[tilespmem:s6+$0xFFFFFD00] =	vst v11;
	v11 =	vadd.f32 v23, v17  }
0x28: {  	s31 =	simm.s32 $0x8;
	[tilespmem:s6+$0xFFFFFC20] =	vst v10;
	v10 =	vadd.f32 v25, v15  }
0x29: {  	v12 =	vadd.f32 v24, v15;
	[tilespmem:s6+$0xFFFFFD80] =	vst v11;
	v11 =	vmov s31  }
0x2a: {  	[tilespmem:s6+$0xFFFFFCA0] =	vst v10;
	v10 =	vadd.f32 v25, v16;
	v26 =	vshll.u32 v11, $0x7  }
0x2b: {  	[tilespmem:s6+$0xFFFFFC90] =	vst v12;
	v12 =	vadd.f32 v24, v16;
	v11 =	vadd.s32 v2, v26  }
0x2c: {  	[tilespmem:s6+$0xFFFFFD20] =	vst v10;
	v10 =	vadd.f32 v25, v17;
	v13 =	vadd.s32 v1, v26;
	v30 =	vor.u32 v5, v11  }
0x2d: {  	v22 =	vadd.f32 v25, v18;
	[tilespmem:s6+$0xFFFFFD10] =	vst v12;
	v29 =	vor.u32 v5, v13  }
0x2e: {  	v12 =	vadd.f32 v24, v17;
	[tilespmem:s6+$0xFFFFFDA0] =	vst v10;
	v10 =	vadd.s32 v0, v26  }
0x2f: {  	v27 =	vadd.f32 v25, v20;
	[tilespmem:s6+$0xFFFFFFA0] =	vst v22;
	v28 =	vor.u32 v5, v10  }
0x30: {  	[tilespmem:s6+$0xFFFFFD90] =	vst v12;
	v12 =	vadd.f32 v24, v19  }
0x31: {  	v31 =	vadd.f32 v23, v21;
	[tilespmem:s6+$0xFFFFFEA0] =	vst v27;
	v43 =	vld.idx.msk [tilespmem:v30+s3+$0x0], $0xffff  }
0x32: {  	v23 =	vadd.f32 v23, v18;
	[tilespmem:s6+$0xFFFFFE10] =	vst v12;
	v12 =	vadd.s32 v3, v26;
	v44 =	vld.idx.msk [tilespmem:v29+s3+$0x0], $0xffff  }
0x33: {  	[tilespmem:s6+$0xFFFFFF00] =	vst v31;
	v26 =	vor.u32 v5, v12;
	v30 =	vadd.f32 v25, v21  }
0x34: {  	[tilespmem:s6+$0xFFFFFF80] =	vst v23;
	v27 =	vld.idx.msk [tilespmem:v28+s3+$0x0], $0xffff;
	v28 =	vadd.f32 v24, v21;
	v24 =	vadd.f32 v24, v18  }
0x35: {  	[tilespmem:s6+$0xFFFFFF20] =	vst v30  }
0x36: {  	[tilespmem:s6+$0xFFFFFF90] =	vst v24;
	v24 =	vadd.f32 v43, v14  }
0x37: {  	[tilespmem:s6+$0xFFFFFF10] =	vst v28;
	v25 =	vadd.f32 v44, v14  }
0x38: {  	v26 =	vld.idx.msk [tilespmem:v26+s3+$0x0], $0xffff;
	v28 =	vadd.f32 v43, v15;
	v29 =	vadd.f32 v44, v15;
	[tilespmem:s6+$0x10] =	vst v24  }
0x39: {  	v30 =	vadd.f32 v43, v16;
	v31 =	vadd.f32 v44, v16;
	[tilespmem:s6+$0x30] =	vst v25  }
0x3a: {  	v45 =	vadd.f32 v43, v17;
	v42 =	vadd.f32 v44, v17;
	[tilespmem:s6+$0x90] =	vst v28  }
0x3b: {  	v40 =	vadd.f32 v43, v19;
	v34 =	vadd.f32 v44, v19;
	[tilespmem:s6+$0xB0] =	vst v29  }
0x3c: {  	v33 =	vadd.f32 v43, v20;
	v36 =	vadd.f32 v44, v20;
	[tilespmem:s6+$0x110] =	vst v30  }
0x3d: {  	v32 =	vadd.f32 v43, v21;
	v23 =	vadd.f32 v27, v14;
	[tilespmem:s6+$0x130] =	vst v31  }
0x3e: {  	v41 =	vadd.f32 v27, v19;
	[tilespmem:s6+$0x190] =	vst v45;
	v22 =	vadd.f32 v26, v14  }
0x3f: {  	v35 =	vadd.f32 v27, v20;
	v24 =	vadd.f32 v26, v15;
	[tilespmem:s6+$0x0] =	vst v23  }
0x40: {  	v37 =	vadd.f32 v27, v21;
	v25 =	vadd.f32 v26, v16;
	[tilespmem:s6+$0x20] =	vst v22  }
0x41: {  	p0 =	por $0x1, $0x1;
	v29 =	vadd.f32 v44, v21;
	v46 =	vadd.f32 v26, v17;
	[tilespmem:s6+$0xA0] =	vst v24  }
.Ltmp0:
0x42: {  	v30 =	vadd.f32 v27, v18;
	v23 =	vadd.f32 v27, v15;
	[tilespmem:s6+$0x120] =	vst v25;
	(pc) =	sbr.rel @!p0 .LBB2_2-.Ltmp0, $4  }
0x43: {  	v28 =	vadd.f32 v43, v18;
	v22 =	vadd.f32 v27, v16;
	[tilespmem:s6+$0x1A0] =	vst v46  }
0x44: {  	v39 =	vadd.f32 v26, v19;
	[tilespmem:s6+$0x80] =	vst v23;
	v23 =	vadd.f32 v27, v17  }
0x45: {  	v38 =	vadd.f32 v26, v20;
	v31 =	vadd.f32 v26, v21;
	[tilespmem:s6+$0x100] =	vst v22  }
0x46: {  	s5 =	simm.s32 $0xA;
	v25 =	vadd.f32 v44, v18;
	v27 =	vadd.f32 v26, v18;
	[tilespmem:s6+$0x180] =	vst v23  }
.LBB2_1:
0x47: {  	s7 =	sadd.s32 $0xFFFFFFFF, s5;
	v22 =	vmov s5;
	s8 =	sadd.s32 $0xFFFFFFF8, s5;
	[tilespmem:s6+$0x1B0] =	vst v42  }
0x48: {  	v23 =	vmov s7;
	v22 =	vshll.u32 v22, $0x7;
	p1 =	slt.u32 s8, $0x6;
	[tilespmem:s6+$0x200] =	vst v41  }
0x49: {  	v23 =	vshll.u32 v23, $0x7;
	v24 =	vadd.s32 v0, v22;
	v26 =	vadd.s32 v2, v22;
	[tilespmem:s6+$0x210] =	vst v40  }
0x4a: {  	v41 =	vadd.s32 v3, v22;
	v22 =	vadd.s32 v1, v22;
	v40 =	vadd.s32 v1, v23;
	[tilespmem:s6+$0x220] =	vst v39  }
0x4b: {  	v24 =	vor.u32 v5, v24;
	v26 =	vor.u32 v5, v26;
	v39 =	vor.u32 v5, v40;
	[tilespmem:s6+$0x230] =	vst v34  }
0x4c: {  	v34 =	vor.u32 v5, v41;
	v40 =	vor.u32 v5, v22;
	[tilespmem:s6+$0x280] =	vst v35  }
0x4d: {  	[tilespmem:s6+$0x290] =	vst v33  }
0x4e: {  	[tilespmem:s6+$0x2A0] =	vst v38  }
0x4f: {  	[tilespmem:s6+$0x2B0] =	vst v36  }
0x50: {  	v22 =	vadd.s32 v0, v23;
	v33 =	vld.idx.msk [tilespmem:v39+s3+$0x0], $0xffff;
	[tilespmem:s6+$0x300] =	vst v37  }
0x51: {  	v35 =	vor.u32 v5, v22;
	v36 =	vadd.s32 v2, v23;
	v22 =	vld.idx.msk [tilespmem:v24+s3+$0x0], $0xffff;
	[tilespmem:s6+$0x310] =	vst v32  }
0x52: {  	v32 =	vor.u32 v5, v36;
	v24 =	vadd.s32 v3, v23;
	v23 =	vld.idx.msk [tilespmem:v26+s3+$0x0], $0xffff;
	[tilespmem:s6+$0x320] =	vst v31  }
0x53: {  	v31 =	vor.u32 v5, v24;
	v24 =	vld.idx.msk [tilespmem:v34+s3+$0x0], $0xffff;
	[tilespmem:s6+$0x330] =	vst v29  }
0x54: {  	v26 =	vld.idx.msk [tilespmem:v40+s3+$0x0], $0xffff;
	[tilespmem:s6+$0x380] =	vst v30  }
0x55: {  	[tilespmem:s6+$0x390] =	vst v28  }
0x56: {  	v29 =	vadd.f32 v33, v14;
	v30 =	vadd.f32 v33, v18;
	v28 =	vld.idx.msk [tilespmem:v35+s3+$0x0], $0xffff;
	[tilespmem:s6+$0x3A0] =	vst v27  }
0x57: {  	v34 =	vadd.f32 v33, v16;
	v27 =	vld.idx.msk [tilespmem:v32+s3+$0x0], $0xffff;
	v32 =	vadd.f32 v33, v15;
	[tilespmem:s6+$0x3B0] =	vst v25;
	s6 =	sadd.s32 $0x800, s6  }
0x58: {  	v35 =	vadd.f32 v33, v19;
	v25 =	vld.idx.msk [tilespmem:v31+s3+$0x0], $0xffff;
	v31 =	vadd.f32 v33, v17;
	[tilespmem:s6+$0xFFFFFFB0] =	vst v30  }
0x59: {  	v30 =	vadd.f32 v33, v21;
	[tilespmem:s6+$0xFFFFFC30] =	vst v29;
	v29 =	vadd.f32 v33, v20  }
0x5a: {  	v43 =	vadd.f32 v22, v14;
	v44 =	vadd.f32 v23, v14;
	[tilespmem:s6+$0xFFFFFCB0] =	vst v32  }
0x5b: {  	v45 =	vadd.f32 v24, v14;
	v46 =	vadd.f32 v26, v14;
	[tilespmem:s6+$0xFFFFFD30] =	vst v34  }
0x5c: {  	v32 =	vadd.f32 v28, v14;
	v33 =	vadd.f32 v28, v15;
	[tilespmem:s6+$0xFFFFFDB0] =	vst v31  }
0x5d: {  	v31 =	vadd.f32 v27, v14;
	v34 =	vadd.f32 v27, v15;
	[tilespmem:s6+$0xFFFFFE30] =	vst v35  }
0x5e: {  	v35 =	vadd.f32 v25, v15;
	[tilespmem:s6+$0xFFFFFC00] =	vst v32;
	v32 =	vadd.f32 v25, v14  }
0x5f: {  	v36 =	vadd.f32 v27, v16;
	[tilespmem:s6+$0xFFFFFC10] =	vst v31;
	v31 =	vadd.f32 v28, v16  }
0x60: {  	v37 =	vadd.f32 v28, v17;
	[tilespmem:s6+$0xFFFFFC20] =	vst v32;
	v32 =	vadd.f32 v25, v16  }
0x61: {  	v38 =	vadd.f32 v25, v17;
	[tilespmem:s6+$0xFFFFFC80] =	vst v33;
	v33 =	vadd.f32 v27, v17  }
0x62: {  	v39 =	vadd.f32 v27, v19;
	[tilespmem:s6+$0xFFFFFC90] =	vst v34;
	v34 =	vadd.f32 v28, v19  }
0x63: {  	v40 =	vadd.f32 v28, v20;
	[tilespmem:s6+$0xFFFFFCA0] =	vst v35;
	v35 =	vadd.f32 v25, v19  }
0x64: {  	v47 =	vadd.f32 v25, v20;
	[tilespmem:s6+$0xFFFFFD00] =	vst v31;
	v31 =	vadd.f32 v27, v20  }
0x65: {  	v48 =	vadd.f32 v27, v21;
	[tilespmem:s6+$0xFFFFFD10] =	vst v36;
	v36 =	vadd.f32 v28, v21  }
0x66: {  	v50 =	vadd.f32 v28, v18;
	v49 =	vadd.f32 v25, v21;
	[tilespmem:s6+$0xFFFFFD20] =	vst v32  }
0x67: {  	v51 =	vadd.f32 v27, v18;
	v52 =	vadd.f32 v25, v18;
	[tilespmem:s6+$0xFFFFFD80] =	vst v37  }
0x68: {  	v53 =	vadd.f32 v22, v15;
	v54 =	vadd.f32 v23, v15;
	[tilespmem:s6+$0xFFFFFD90] =	vst v33  }
0x69: {  	v55 =	vadd.f32 v24, v15;
	v56 =	vadd.f32 v26, v15;
	[tilespmem:s6+$0xFFFFFDA0] =	vst v38  }
0x6a: {  	v57 =	vadd.f32 v22, v16;
	v58 =	vadd.f32 v23, v16;
	[tilespmem:s6+$0xFFFFFE00] =	vst v34  }
0x6b: {  	v59 =	vadd.f32 v24, v16;
	v60 =	vadd.f32 v26, v16;
	[tilespmem:s6+$0xFFFFFE10] =	vst v39  }
0x6c: {  	v61 =	vadd.f32 v22, v17;
	v62 =	vadd.f32 v23, v17;
	[tilespmem:s6+$0xFFFFFE20] =	vst v35  }
0x6d: {  	v63 =	vadd.f32 v24, v17;
	v42 =	vadd.f32 v26, v17;
	[tilespmem:s6+$0xFFFFFE80] =	vst v40  }
0x6e: {  	v41 =	vadd.f32 v22, v19;
	v40 =	vadd.f32 v23, v19;
	[tilespmem:s6+$0xFFFFFE90] =	vst v31  }
0x6f: {  	v34 =	vadd.f32 v26, v19;
	v39 =	vadd.f32 v24, v19;
	[tilespmem:s6+$0xFFFFFEA0] =	vst v47  }
0x70: {  	v33 =	vadd.f32 v23, v20;
	v35 =	vadd.f32 v22, v20;
	[tilespmem:s6+$0xFFFFFEB0] =	vst v29  }
0x71: {  	v38 =	vadd.f32 v24, v20;
	[tilespmem:s6+$0xFFFFFF00] =	vst v36;
	v36 =	vadd.f32 v26, v20  }
0x72: {  	v32 =	vadd.f32 v23, v21;
	v37 =	vadd.f32 v22, v21;
	[tilespmem:s6+$0xFFFFFF10] =	vst v48  }
0x73: {  	v31 =	vadd.f32 v24, v21;
	v29 =	vadd.f32 v26, v21;
	[tilespmem:s6+$0xFFFFFF20] =	vst v49  }
0x74: {  	v28 =	vadd.f32 v23, v18;
	[tilespmem:s6+$0xFFFFFF30] =	vst v30;
	v30 =	vadd.f32 v22, v18  }
0x75: {  	v25 =	vadd.f32 v26, v18;
	v27 =	vadd.f32 v24, v18;
	[tilespmem:s6+$0xFFFFFF80] =	vst v50  }
0x76: {  	[tilespmem:s6+$0xFFFFFF90] =	vst v51  }
0x77: {  	[tilespmem:s6+$0xFFFFFFA0] =	vst v52  }
0x78: {  	[tilespmem:s6+$0x0] =	vst v43  }
0x79: {  	[tilespmem:s6+$0x10] =	vst v44  }
0x7a: {  	[tilespmem:s6+$0x20] =	vst v45  }
0x7b: {  	[tilespmem:s6+$0x30] =	vst v46  }
0x7c: {  	[tilespmem:s6+$0x80] =	vst v53  }
0x7d: {  	[tilespmem:s6+$0x90] =	vst v54  }
0x7e: {  	[tilespmem:s6+$0xA0] =	vst v55  }
0x7f: {  	[tilespmem:s6+$0xB0] =	vst v56  }
0x80: {  	[tilespmem:s6+$0x100] =	vst v57  }
0x81: {  	[tilespmem:s6+$0x110] =	vst v58  }
.Ltmp1:
0x82: {  	[tilespmem:s6+$0x120] =	vst v59;
	(pc) =	sbr.rel @p1 .LBB2_1-.Ltmp1, $4  }
0x83: {  	[tilespmem:s6+$0x130] =	vst v60  }
0x84: {  	[tilespmem:s6+$0x180] =	vst v61  }
0x85: {  	[tilespmem:s6+$0x190] =	vst v62  }
0x86: {  	s5 =	sadd.s32 $0x2, s5;
	[tilespmem:s6+$0x1A0] =	vst v63  }
.LBB2_2:
0x87: {  	[tilespmem:s6+$0x1B0] =	vst v42  }
0x88: {  	[tilespmem:s6+$0x200] =	vst v41  }
0x89: {  	[tilespmem:s6+$0x210] =	vst v40  }
0x8a: {  	[tilespmem:s6+$0x220] =	vst v39  }
0x8b: {  	[tilespmem:s6+$0x230] =	vst v34  }
0x8c: {  	[tilespmem:s6+$0x280] =	vst v35  }
0x8d: {  	[tilespmem:s6+$0x290] =	vst v33  }
0x8e: {  	[tilespmem:s6+$0x2A0] =	vst v38  }
0x8f: {  	[tilespmem:s6+$0x2B0] =	vst v36  }
0x90: {  	[tilespmem:s6+$0x300] =	vst v37  }
0x91: {  	[tilespmem:s6+$0x310] =	vst v32  }
0x92: {  	[tilespmem:s6+$0x320] =	vst v31  }
0x93: {  	[tilespmem:s6+$0x330] =	vst v29;
	v14 =	vadd.s32 $0x381, v4  }
0x94: {  	[tilespmem:s6+$0x380] =	vst v30;
	v15 =	vor.u32 v14, v5;
	v14 =	vadd.s32 $0x401, v4  }
0x95: {  	[tilespmem:s6+$0x390] =	vst v28;
	v16 =	vor.u32 v14, v5;
	v14 =	vadd.s32 $0x481, v4  }
0x96: {  	s5 =	sshll.u32 s1, $0xB;
	v19 =	vadd.s32 $0x701, v4;
	[tilespmem:s6+$0x3A0] =	vst v27;
	v17 =	vor.u32 v14, v5  }
0x97: {  	s7 =	simm.s32 $0x1000;
	[tilespmem:s6+$0x3B0] =	vst v25;
	s31 =	sadd.s32 s2, s5;
	v19 =	vor.u32 v19, v5;
	v14 =	vadd.s32 $0x501, v4  }
0x98: {  	v20 =	vadd.s32 $0x581, v4;
	[hbm4b:s31+s3] =	stream.linear.scatter [tilespmem:s7], [sflag:$0x1], $0x2000, $0x38;
	v18 =	vor.u32 v14, v5;
	[tilespmem:$0x5000] =	vst v63  }
0x99: {  	v20 =	vor.u32 v20, v5;
	v14 =	vor.u32 $0x1, v5;
	v15 =	vld.idx.msk [tilespmem:v15+s4+$0x0], $0xffff  }
0x9a: {  	v22 =	vadd.s32 $0x601, v4;
	v21 =	vor.u32 v14, v6;
	v6 =	vld.idx.msk [tilespmem:v16+s4+$0x0], $0xffff  }
0x9b: {  	v22 =	vor.u32 v22, v5;
	v16 =	vadd.s32 $0x681, v4;
	v4 =	vld.idx.msk [tilespmem:v17+s4+$0x0], $0xffff  }
0x9c: {  	v11 =	vor.u32 v14, v11;
	v17 =	vor.u32 v16, v5;
	v16 =	vld.idx.msk [tilespmem:v19+s4+$0x0], $0xffff  }
0x9d: {  	v12 =	vor.u32 v14, v12;
	v5 =	vld.idx.msk [tilespmem:v18+s4+$0x0], $0xffff  }
0x9e: {  	v13 =	vor.u32 v14, v13;
	v18 =	vor.u32 v14, v7;
	v7 =	vld.idx.msk [tilespmem:v20+s4+$0x0], $0xffff  }
0x9f: {  	v19 =	vld.idx.msk [tilespmem:v21+s3+$0x0], $0xffff  }
0xa0: {  	v21 =	vor.u32 v14, v8;
	v8 =	vld.idx.msk [tilespmem:v22+s4+$0x0], $0xffff  }
0xa1: {  	v20 =	vor.u32 v14, v9;
	v11 =	vld.idx.msk [tilespmem:v11+s3+$0x0], $0xffff  }
0xa2: {  	v12 =	vld.idx.msk [tilespmem:v12+s3+$0x0], $0xffff  }
0xa3: {  	v13 =	vld.idx.msk [tilespmem:v13+s3+$0x0], $0xffff  }
0xa4: {  	v9 =	vld.idx.msk [tilespmem:v17+s4+$0x0], $0xffff  }
0xa5: {  	v10 =	vor.u32 v14, v10;
	v17 =	vld.idx.msk [tilespmem:v18+s3+$0x0], $0xffff;
	v18 =	vadd.f32 v19, v16  }
0xa6: {  	s4 =	simm.s32 $0x37B0;
	v20 =	vld.idx.msk [tilespmem:v20+s3+$0x0], $0xffff;
	v22 =	vadd.f32 v19, v15  }
0xa7: {  	v21 =	vld.idx.msk [tilespmem:v21+s3+$0x0], $0xffff;
	v23 =	vadd.f32 v19, v6;
	[tilespmem:s4+$0xFFFFFC00] =	vst v18  }
0xa8: {  	v61 =	vadd.f32 v13, v4;
	[tilespmem:s4+$0xFFFFF880] =	vst v22  }
0xa9: {  	v62 =	vadd.f32 v11, v5;
	[tilespmem:s4+$0xFFFFF900] =	vst v23  }
0xaa: {  	v10 =	vld.idx.msk [tilespmem:v10+s3+$0x0], $0xffff;
	v63 =	vadd.f32 v12, v5;
	[tilespmem:s4+$0xFFFFFD80] =	vst v61  }
0xab: {  	v18 =	vadd.f32 v19, v4;
	[tilespmem:s4+$0xFFFFFDE0] =	vst v62  }
0xac: {  	v22 =	vadd.f32 v19, v5;
	[tilespmem:s4+$0xFFFFFDF0] =	vst v63  }
0xad: {  	v23 =	vadd.f32 v19, v7;
	[tilespmem:s4+$0xFFFFF980] =	vst v18  }
0xae: {  	v18 =	vadd.f32 v17, v15;
	[tilespmem:s4+$0xFFFFFA00] =	vst v22  }
0xaf: {  	[tilespmem:s4+$0xFFFFFA80] =	vst v23;
	v23 =	vadd.f32 v17, v6  }
0xb0: {  	v22 =	vadd.f32 v21, v15;
	[tilespmem:s4+$0xFFFFF850] =	vst v18  }
0xb1: {  	v18 =	vadd.f32 v20, v15;
	[tilespmem:s4+$0xFFFFF8D0] =	vst v23  }
0xb2: {  	v23 =	vadd.f32 v17, v4;
	[tilespmem:s4+$0xFFFFF860] =	vst v22  }
0xb3: {  	v22 =	vadd.f32 v21, v6;
	[tilespmem:s4+$0xFFFFF870] =	vst v18  }
0xb4: {  	v18 =	vadd.f32 v20, v6;
	[tilespmem:s4+$0xFFFFF950] =	vst v23  }
0xb5: {  	v23 =	vadd.f32 v17, v5;
	[tilespmem:s4+$0xFFFFF8E0] =	vst v22  }
0xb6: {  	v22 =	vadd.f32 v21, v4;
	[tilespmem:s4+$0xFFFFF8F0] =	vst v18  }
0xb7: {  	v18 =	vadd.f32 v20, v4;
	[tilespmem:s4+$0xFFFFF9D0] =	vst v23  }
0xb8: {  	v23 =	vadd.f32 v17, v7;
	[tilespmem:s4+$0xFFFFF960] =	vst v22  }
0xb9: {  	v22 =	vadd.f32 v21, v5;
	[tilespmem:s4+$0xFFFFF970] =	vst v18  }
0xba: {  	v18 =	vadd.f32 v20, v5;
	[tilespmem:s4+$0xFFFFFA50] =	vst v23  }
0xbb: {  	v23 =	vadd.f32 v17, v8;
	[tilespmem:s4+$0xFFFFF9E0] =	vst v22  }
0xbc: {  	v22 =	vadd.f32 v21, v7;
	[tilespmem:s4+$0xFFFFF9F0] =	vst v18  }
0xbd: {  	v18 =	vadd.f32 v20, v7;
	[tilespmem:s4+$0xFFFFFAD0] =	vst v23  }
0xbe: {  	v23 =	vadd.f32 v19, v8;
	[tilespmem:s4+$0xFFFFFA60] =	vst v22  }
0xbf: {  	v19 =	vadd.f32 v19, v9;
	[tilespmem:s4+$0xFFFFFA70] =	vst v18  }
0xc0: {  	v22 =	vadd.f32 v21, v8;
	[tilespmem:s4+$0xFFFFFB00] =	vst v23  }
0xc1: {  	v18 =	vadd.f32 v20, v8;
	[tilespmem:s4+$0xFFFFFB80] =	vst v19  }
0xc2: {  	v23 =	vadd.f32 v20, v9;
	[tilespmem:s4+$0xFFFFFAE0] =	vst v22  }
0xc3: {  	v19 =	vadd.f32 v20, v16;
	[tilespmem:s4+$0xFFFFFAF0] =	vst v18  }
0xc4: {  	v20 =	vadd.f32 v13, v15;
	[tilespmem:s4+$0xFFFFFB70] =	vst v23  }
0xc5: {  	v22 =	vadd.f32 v17, v9;
	[tilespmem:s4+$0xFFFFFBF0] =	vst v19  }
0xc6: {  	v17 =	vadd.f32 v17, v16;
	[tilespmem:s4+$0xFFFFFC80] =	vst v20  }
0xc7: {  	v33 =	vadd.f32 v13, v5;
	v18 =	vadd.f32 v21, v9;
	[tilespmem:s4+$0xFFFFFB50] =	vst v22  }
0xc8: {  	v32 =	vadd.f32 v10, v7;
	v19 =	vadd.f32 v12, v15;
	[tilespmem:s4+$0xFFFFFBD0] =	vst v17  }
0xc9: {  	v31 =	vadd.f32 v11, v7;
	v23 =	vadd.f32 v11, v4;
	[tilespmem:s4+$0xFFFFFB60] =	vst v18  }
0xca: {  	v30 =	vadd.f32 v12, v7;
	v20 =	vadd.f32 v12, v4;
	[tilespmem:s4+$0xFFFFFC70] =	vst v19  }
0xcb: {  	v25 =	vadd.f32 v13, v7;
	v17 =	vadd.f32 v10, v15;
	[tilespmem:s4+$0xFFFFFD60] =	vst v23  }
0xcc: {  	v26 =	vadd.f32 v10, v8;
	v22 =	vadd.f32 v13, v6;
	[tilespmem:s4+$0xFFFFFD70] =	vst v20  }
0xcd: {  	v24 =	vadd.f32 v11, v8;
	v18 =	vadd.f32 v21, v16;
	[tilespmem:s4+$0xFFFFFC50] =	vst v17  }
0xce: {  	v29 =	vadd.f32 v12, v8;
	v21 =	vadd.f32 v11, v6;
	[tilespmem:s4+$0xFFFFFD00] =	vst v22  }
0xcf: {  	v27 =	vadd.f32 v13, v8;
	v19 =	vadd.f32 v10, v4;
	[tilespmem:s4+$0xFFFFFBE0] =	vst v18  }
0xd0: {  	v28 =	vadd.f32 v10, v9;
	v17 =	vadd.f32 v10, v6;
	[tilespmem:s4+$0xFFFFFCE0] =	vst v21  }
.Ltmp2:
0xd1: {  	v23 =	vadd.f32 v11, v9;
	v18 =	vadd.f32 v11, v15;
	[tilespmem:s4+$0xFFFFFD50] =	vst v19;
	(pc) =	sbr.rel @!p0 .LBB2_4-.Ltmp2, $4  }
0xd2: {  	v20 =	vadd.f32 v11, v16;
	[tilespmem:s4+$0xFFFFFCD0] =	vst v17;
	v17 =	vadd.f32 v10, v5  }
0xd3: {  	v22 =	vadd.f32 v12, v9;
	[tilespmem:s4+$0xFFFFFC60] =	vst v18;
	v18 =	vadd.f32 v12, v6  }
0xd4: {  	v19 =	vadd.f32 v13, v9;
	v21 =	vadd.f32 v10, v16;
	[tilespmem:s4+$0xFFFFFDD0] =	vst v17  }
0xd5: {  	s6 =	simm.s32 $0xA;
	v17 =	vadd.f32 v13, v16;
	[tilespmem:s4+$0xFFFFFCF0] =	vst v18;
	v18 =	vadd.f32 v12, v16  }
.LBB2_3:
0xd6: {  	s7 =	sadd.s32 $0xFFFFFFFF, s6;
	v10 =	vmov s6;
	s8 =	sadd.s32 $0xFFFFFFF8, s6;
	[tilespmem:s4+$0xFFFFFE00] =	vst v33  }
0xd7: {  	v11 =	vmov s7;
	v10 =	vshll.u32 v10, $0x7;
	p0 =	slt.u32 s8, $0x6;
	[tilespmem:s4+$0xFFFFFE50] =	vst v32  }
0xd8: {  	v11 =	vshll.u32 v11, $0x7;
	v12 =	vadd.s32 v0, v10;
	v13 =	vadd.s32 v2, v10;
	[tilespmem:s4+$0xFFFFFE60] =	vst v31  }
0xd9: {  	v32 =	vadd.s32 v3, v10;
	v10 =	vadd.s32 v1, v10;
	v31 =	vadd.s32 v1, v11;
	[tilespmem:s4+$0xFFFFFE70] =	vst v30  }
0xda: {  	v12 =	vor.u32 v14, v12;
	v13 =	vor.u32 v14, v13;
	v30 =	vor.u32 v14, v31;
	[tilespmem:s4+$0xFFFFFE80] =	vst v25  }
0xdb: {  	v25 =	vor.u32 v14, v32;
	v31 =	vor.u32 v14, v10;
	[tilespmem:s4+$0xFFFFFED0] =	vst v26  }
0xdc: {  	[tilespmem:s4+$0xFFFFFEE0] =	vst v24  }
0xdd: {  	[tilespmem:s4+$0xFFFFFEF0] =	vst v29  }
0xde: {  	[tilespmem:s4+$0xFFFFFF00] =	vst v27  }
0xdf: {  	v10 =	vadd.s32 v0, v11;
	v24 =	vld.idx.msk [tilespmem:v30+s3+$0x0], $0xffff;
	[tilespmem:s4+$0xFFFFFF50] =	vst v28  }
0xe0: {  	v26 =	vor.u32 v14, v10;
	v27 =	vadd.s32 v2, v11;
	v10 =	vld.idx.msk [tilespmem:v12+s3+$0x0], $0xffff;
	[tilespmem:s4+$0xFFFFFF60] =	vst v23  }
0xe1: {  	v23 =	vor.u32 v14, v27;
	v12 =	vadd.s32 v3, v11;
	v11 =	vld.idx.msk [tilespmem:v13+s3+$0x0], $0xffff;
	[tilespmem:s4+$0xFFFFFF70] =	vst v22  }
0xe2: {  	v22 =	vor.u32 v14, v12;
	v12 =	vld.idx.msk [tilespmem:v25+s3+$0x0], $0xffff;
	[tilespmem:s4+$0xFFFFFF80] =	vst v19  }
0xe3: {  	v13 =	vld.idx.msk [tilespmem:v31+s3+$0x0], $0xffff;
	[tilespmem:s4+$0xFFFFFFD0] =	vst v21  }
0xe4: {  	[tilespmem:s4+$0xFFFFFFE0] =	vst v20  }
0xe5: {  	v20 =	vadd.f32 v24, v15;
	v21 =	vadd.f32 v24, v16;
	v19 =	vld.idx.msk [tilespmem:v26+s3+$0x0], $0xffff;
	[tilespmem:s4+$0xFFFFFFF0] =	vst v18  }
0xe6: {  	v25 =	vadd.f32 v24, v4;
	v18 =	vld.idx.msk [tilespmem:v23+s3+$0x0], $0xffff;
	v23 =	vadd.f32 v24, v6;
	[tilespmem:s4+$0x0] =	vst v17;
	s4 =	sadd.s32 $0x800, s4  }
0xe7: {  	v26 =	vadd.f32 v24, v7;
	v17 =	vld.idx.msk [tilespmem:v22+s3+$0x0], $0xffff;
	v22 =	vadd.f32 v24, v5;
	[tilespmem:s4+$0xFFFFFC00] =	vst v21  }
0xe8: {  	v21 =	vadd.f32 v24, v9;
	[tilespmem:s4+$0xFFFFF880] =	vst v20;
	v20 =	vadd.f32 v24, v8  }
0xe9: {  	v34 =	vadd.f32 v10, v15;
	v35 =	vadd.f32 v11, v15;
	[tilespmem:s4+$0xFFFFF900] =	vst v23  }
0xea: {  	v36 =	vadd.f32 v12, v15;
	v37 =	vadd.f32 v13, v15;
	[tilespmem:s4+$0xFFFFF980] =	vst v25  }
0xeb: {  	v23 =	vadd.f32 v19, v15;
	v24 =	vadd.f32 v19, v6;
	[tilespmem:s4+$0xFFFFFA00] =	vst v22  }
0xec: {  	v22 =	vadd.f32 v18, v15;
	v25 =	vadd.f32 v18, v6;
	[tilespmem:s4+$0xFFFFFA80] =	vst v26  }
0xed: {  	v26 =	vadd.f32 v17, v6;
	[tilespmem:s4+$0xFFFFF850] =	vst v23;
	v23 =	vadd.f32 v17, v15  }
0xee: {  	v27 =	vadd.f32 v18, v4;
	[tilespmem:s4+$0xFFFFF860] =	vst v22;
	v22 =	vadd.f32 v19, v4  }
0xef: {  	v28 =	vadd.f32 v19, v5;
	[tilespmem:s4+$0xFFFFF870] =	vst v23;
	v23 =	vadd.f32 v17, v4  }
0xf0: {  	v29 =	vadd.f32 v17, v5;
	[tilespmem:s4+$0xFFFFF8D0] =	vst v24;
	v24 =	vadd.f32 v18, v5  }
0xf1: {  	v30 =	vadd.f32 v18, v7;
	[tilespmem:s4+$0xFFFFF8E0] =	vst v25;
	v25 =	vadd.f32 v19, v7  }
0xf2: {  	v31 =	vadd.f32 v19, v8;
	[tilespmem:s4+$0xFFFFF8F0] =	vst v26;
	v26 =	vadd.f32 v17, v7  }
0xf3: {  	v38 =	vadd.f32 v17, v8;
	[tilespmem:s4+$0xFFFFF950] =	vst v22;
	v22 =	vadd.f32 v18, v8  }
0xf4: {  	v39 =	vadd.f32 v18, v9;
	[tilespmem:s4+$0xFFFFF960] =	vst v27;
	v27 =	vadd.f32 v19, v9  }
0xf5: {  	v41 =	vadd.f32 v19, v16;
	v40 =	vadd.f32 v17, v9;
	[tilespmem:s4+$0xFFFFF970] =	vst v23  }
0xf6: {  	v42 =	vadd.f32 v18, v16;
	v43 =	vadd.f32 v17, v16;
	[tilespmem:s4+$0xFFFFF9D0] =	vst v28  }
0xf7: {  	v44 =	vadd.f32 v10, v6;
	v45 =	vadd.f32 v11, v6;
	[tilespmem:s4+$0xFFFFF9E0] =	vst v24  }
0xf8: {  	v46 =	vadd.f32 v12, v6;
	v47 =	vadd.f32 v13, v6;
	[tilespmem:s4+$0xFFFFF9F0] =	vst v29  }
0xf9: {  	v48 =	vadd.f32 v10, v4;
	v49 =	vadd.f32 v11, v4;
	[tilespmem:s4+$0xFFFFFA50] =	vst v25  }
0xfa: {  	v50 =	vadd.f32 v12, v4;
	v51 =	vadd.f32 v13, v4;
	[tilespmem:s4+$0xFFFFFA60] =	vst v30  }
0xfb: {  	v52 =	vadd.f32 v10, v5;
	v53 =	vadd.f32 v11, v5;
	[tilespmem:s4+$0xFFFFFA70] =	vst v26  }
0xfc: {  	v54 =	vadd.f32 v12, v5;
	v33 =	vadd.f32 v13, v5;
	[tilespmem:s4+$0xFFFFFAD0] =	vst v31  }
0xfd: {  	v32 =	vadd.f32 v10, v7;
	v31 =	vadd.f32 v11, v7;
	[tilespmem:s4+$0xFFFFFAE0] =	vst v22  }
0xfe: {  	v25 =	vadd.f32 v13, v7;
	v30 =	vadd.f32 v12, v7;
	[tilespmem:s4+$0xFFFFFAF0] =	vst v38  }
0xff: {  	v24 =	vadd.f32 v11, v8;
	v26 =	vadd.f32 v10, v8;
	[tilespmem:s4+$0xFFFFFB00] =	vst v20  }
0x100: {  	v29 =	vadd.f32 v12, v8;
	[tilespmem:s4+$0xFFFFFB50] =	vst v27;
	v27 =	vadd.f32 v13, v8  }
0x101: {  	v23 =	vadd.f32 v11, v9;
	v28 =	vadd.f32 v10, v9;
	[tilespmem:s4+$0xFFFFFB60] =	vst v39  }
0x102: {  	v19 =	vadd.f32 v13, v9;
	v22 =	vadd.f32 v12, v9;
	[tilespmem:s4+$0xFFFFFB70] =	vst v40  }
0x103: {  	v20 =	vadd.f32 v11, v16;
	[tilespmem:s4+$0xFFFFFB80] =	vst v21;
	v21 =	vadd.f32 v10, v16  }
0x104: {  	v17 =	vadd.f32 v13, v16;
	v18 =	vadd.f32 v12, v16;
	[tilespmem:s4+$0xFFFFFBD0] =	vst v41  }
0x105: {  	[tilespmem:s4+$0xFFFFFBE0] =	vst v42  }
0x106: {  	[tilespmem:s4+$0xFFFFFBF0] =	vst v43  }
0x107: {  	[tilespmem:s4+$0xFFFFFC50] =	vst v34  }
0x108: {  	[tilespmem:s4+$0xFFFFFC60] =	vst v35  }
0x109: {  	[tilespmem:s4+$0xFFFFFC70] =	vst v36  }
0x10a: {  	[tilespmem:s4+$0xFFFFFC80] =	vst v37  }
0x10b: {  	[tilespmem:s4+$0xFFFFFCD0] =	vst v44  }
0x10c: {  	[tilespmem:s4+$0xFFFFFCE0] =	vst v45  }
0x10d: {  	[tilespmem:s4+$0xFFFFFCF0] =	vst v46  }
0x10e: {  	[tilespmem:s4+$0xFFFFFD00] =	vst v47  }
0x10f: {  	[tilespmem:s4+$0xFFFFFD50] =	vst v48  }
0x110: {  	[tilespmem:s4+$0xFFFFFD60] =	vst v49  }
.Ltmp3:
0x111: {  	[tilespmem:s4+$0xFFFFFD70] =	vst v50;
	(pc) =	sbr.rel @p0 .LBB2_3-.Ltmp3, $4  }
0x112: {  	[tilespmem:s4+$0xFFFFFD80] =	vst v51  }
0x113: {  	[tilespmem:s4+$0xFFFFFDD0] =	vst v52  }
0x114: {  	[tilespmem:s4+$0xFFFFFDE0] =	vst v53  }
0x115: {  	s6 =	sadd.s32 $0x2, s6;
	[tilespmem:s4+$0xFFFFFDF0] =	vst v54  }
.LBB2_4:
0x116: {  	[tilespmem:s4+$0xFFFFFE00] =	vst v33  }
0x117: {  	[tilespmem:s4+$0xFFFFFE50] =	vst v32  }
0x118: {  	[tilespmem:s4+$0xFFFFFE60] =	vst v31  }
0x119: {  	[tilespmem:s4+$0xFFFFFE70] =	vst v30  }
0x11a: {  	[tilespmem:s4+$0xFFFFFE80] =	vst v25  }
0x11b: {  	[tilespmem:s4+$0xFFFFFED0] =	vst v26  }
0x11c: {  	[tilespmem:s4+$0xFFFFFEE0] =	vst v24  }
0x11d: {  	[tilespmem:s4+$0xFFFFFEF0] =	vst v29  }
0x11e: {  	[tilespmem:s4+$0xFFFFFF00] =	vst v27  }
0x11f: {  	[tilespmem:s4+$0xFFFFFF50] =	vst v28  }
0x120: {  	[tilespmem:s4+$0xFFFFFF60] =	vst v23  }
0x121: {  	[tilespmem:s4+$0xFFFFFF70] =	vst v22  }
0x122: {  	[tilespmem:s4+$0xFFFFFF80] =	vst v19  }
0x123: {  	[tilespmem:s4+$0xFFFFFFD0] =	vst v21  }
0x124: {  	[tilespmem:s4+$0xFFFFFFE0] =	vst v20  }
0x125: {  	s2 =	sadd.s32 s5, s2;
	s3 =	simm.s32 $0x0;
	[tilespmem:s4+$0xFFFFFFF0] =	vst v18  }
0x126: {  	s30 =	simm.s32 $0x3000;
	s31 =	simm.s32 $0x1;
	[tilespmem:s4+$0x0] =	vst v17;
	s2 =	sadd.s32 $0x400, s2  }
0x127: {  	[hbm4b:s2+s3] =	stream.linear.scatter [tilespmem:s30], [sflag:$0x1], $0x2000, $0x38;
	[tilespmem:$0x5000] =	vst v63  }
0x128: {  	_ =	swait.ge [sflag:s31], $0x2000  }
0x129: {  	[sflag:s31] =	ssyncset.done $0x0  }
0x12a: {  	[sflag:s31] =	ssyncadd.s32 $0xFFFFE000  }
0x12b: {  	_ =	swait.ge [sflag:s31], $0x2000  }
0x12c: {  	[sflag:s31] =	ssyncset.done $0x0  }
0x12d: {  	[sflag:s31] =	ssyncadd.s32 $0xFFFFE000  }
0x12e: {  	_ =	sfence.sel $0x180000  }
0x12f: {  	[bflag:$0x0] =	sbarrier.arrive $0xFFFF  }
0x130: {  	p0 =	sne.s32 s1, $0x0;
	_ =	strace $0x90000047  }
0x131: {  	s0 =	sadd.s32 @!p0 $0x100000, s0;
	[bflag:$0x2] =	sbarrier.arrive $0xFFFF  }
0x132: {  	[sflag:s0] =	ssyncadd.tile.s32 @!p0 $0x1;
	_ =	shalt  }
.Lfunc_end2:
_tile_overlayer_lowered:
.L_overlay_start_2:
0x133: {  	(tag) =	ssettag $0x2  }
0x134: {  	s0 =	rddreg [dreg:$0x0];
	s2 =	stileid.u32  }
0x135: {  	s1 =	rddreg [dreg:$0x1];
	p0 =	sne.s32 s2, $0x0  }
0x136: {  	s3 =	rddreg [dreg:$0x2];
	[bflag:$0x3] =	sbarrier.arrive $0xFFFF;
	s2 =	simm.s32 @!p0 $0x1C02  }
0x137: {  	[timem:s3], [sflag:s2] =	dma.local @!p0 [hbm:s0], s1  }
0x138: {  	s0 =	simm.s32 @!p0 $0x2  }
0x139: {  	_ =	swait.ge @!p0 [sflag:s0], s1  }
0x13a: {  	s1 =	ssub.s32 @!p0 $0x0, s1;
	[sflag:s0] =	ssyncset.done @!p0 $0x0  }
0x13b: {  	[sflag:s0] =	ssyncadd.s32 @!p0 s1  }
0x13c: {  	[bflag:$0x3] =	sbarrier.arrive $0xFFFF  }
0x13d: {  	_ =	shalt  }

</sc_bundles>
